<compile_context>
chip_gen: v7x
topology: tpu7x:2x2x1
jax: 0.10.2.dev20260603
libtpu: 0.0.44.dev20260713+nightly
codegen_flags: <defaults>
</compile_context>

<pallas_src>
import jax
import jax.numpy as jnp
from jax import lax
from jax.experimental import pallas as pl
from jax.experimental.pallas import tpu as pltpu
from jax.experimental.pallas import tpu_sc as plsc

N = 1048576
NQ = 8192
NB = 2 * NQ
LAM = 0.5
GAMMA = 0.2

NC = 2
NS = 16
NW = NC * NS
CHUNK = N // NW
SUB = 8192
NSUB = CHUNK // SUB
L = 16

ROWS = 1024
COLS = 1024
BROWS = 128
GRID = ROWS // BROWS


def _sc_body(scores_hbm, labels_hbm, qids_hbm, sums_hbm, cnts_hbm,
             sc_v0, lb_v0, qd_v0, sc_v1, lb_v1, qd_v1,
             lsum_v, lcnt_v,
             in_sem0, in_sem1, out_sem):
    cid = lax.axis_index("c")
    sid = lax.axis_index("s")
    wid = cid * NS + sid
    base = wid * CHUNK

    sc_v = (sc_v0, sc_v1)
    lb_v = (lb_v0, lb_v1)
    qd_v = (qd_v0, qd_v1)
    in_sem = (in_sem0, in_sem1)

    def _issue_in(s, b):
        off = base + s * SUB
        return (
            pltpu.async_copy(scores_hbm.at[pl.ds(off, SUB)], sc_v[b], in_sem[b]),
            pltpu.async_copy(labels_hbm.at[pl.ds(off, SUB)], lb_v[b], in_sem[b]),
            pltpu.async_copy(qids_hbm.at[pl.ds(off, SUB)], qd_v[b], in_sem[b]),
        )

    pending_in = _issue_in(0, 0)

    @plsc.parallel_loop(0, NB // L, 1, unroll=8)
    def _zfill(i):
        lsum_v[pl.ds(i * L, L)] = jnp.zeros((L,), jnp.float32)
        lcnt_v[pl.ds(i * L, L)] = jnp.zeros((L,), jnp.float32)

    lane = lax.iota(jnp.int32, L)
    ones_f = jnp.ones((L,), jnp.float32)
    in_b = "wrap"
    perm1 = lane ^ 1
    perm2 = lane ^ 2
    perm4 = lane ^ 4

    for s in range(NSUB):
        b = s & 1
        for d in pending_in:
            d.wait()
        if s + 1 < NSUB:
            pending_in = _issue_in(s + 1, b ^ 1)

        qd_b, lb_b, sc_b = qd_v[b], lb_v[b], sc_v[b]

        @plsc.parallel_loop(0, SUB // L, 1, unroll=8)
        def _accum(i):
            q = qd_b[pl.ds(i * L, L)]
            lb = lb_b[pl.ds(i * L, L)]
            sv = sc_b[pl.ds(i * L, L)]
            k = q + (lb << 13)
            cv = ones_f + 0.0 * sv
            keep = jnp.where(k == k, 1, 0)
            for perm, bit in ((perm1, 1),):
                kp = jnp.take(k, perm, mode=in_b)
                sp = jnp.take(sv, perm, mode=in_b)
                cp = jnp.take(cv, perm, mode=in_b)
                mp = jnp.take(keep, perm, mode=in_b)
                eq = (k == kp) & (keep == 1) & (mp == 1)
                sv = sv + jnp.where(eq, sp, 0.0)
                cv = cv + jnp.where(eq, cp, 0.0)
                keep = jnp.where(eq & ((lane & bit) != 0), 0, keep)
            live = keep == 1
            plsc.addupdate_scatter(lsum_v, [k], sv, mask=live)
            plsc.addupdate_scatter(lcnt_v, [k], cv, mask=live)

    d1 = pltpu.async_copy(lsum_v, sums_hbm.at[cid, sid, :], out_sem)
    d2 = pltpu.async_copy(lcnt_v, cnts_hbm.at[cid, sid, :], out_sem)
    d1.wait()
    d2.wait()


_sc_call = pl.kernel(
    _sc_body,
    out_type=(jax.ShapeDtypeStruct((NC, NS, NB), jnp.float32),
              jax.ShapeDtypeStruct((NC, NS, NB), jnp.float32)),
    mesh=plsc.VectorSubcoreMesh(core_axis_name="c", subcore_axis_name="s"),
    compiler_params=pltpu.CompilerParams(needs_layout_passes=False),
    scratch_types=[
        pltpu.VMEM((SUB,), jnp.float32),
        pltpu.VMEM((SUB,), jnp.int32),
        pltpu.VMEM((SUB,), jnp.int32),
        pltpu.VMEM((SUB,), jnp.float32),
        pltpu.VMEM((SUB,), jnp.int32),
        pltpu.VMEM((SUB,), jnp.int32),
        pltpu.VMEM((NB,), jnp.float32),
        pltpu.VMEM((NB,), jnp.float32),
        pltpu.SemaphoreType.DMA,
        pltpu.SemaphoreType.DMA,
        pltpu.SemaphoreType.DMA,
    ],
)


def _tc_body(scores_ref, labels_ref, sums_ref, cnts_ref, out_ref, bce_acc):
    i = pl.program_id(0)

    @pl.when(i == 0)
    def _():
        bce_acc[0, 0] = 0.0

    s = scores_ref[...]
    lb = labels_ref[...]
    u = jnp.where(lb == 1, s, 1.0 - s)
    bce_acc[0, 0] += jnp.sum(jnp.maximum(jnp.log(u), -100.0))

    @pl.when(i == GRID - 1)
    def _():
        sums = jnp.sum(sums_ref[...], axis=0, keepdims=True)
        cnts = jnp.sum(cnts_ref[...], axis=0, keepdims=True)
        neg_s = sums[:, :NQ]
        pos_s = sums[:, NQ:]
        neg_c = cnts[:, :NQ]
        pos_c = cnts[:, NQ:]
        valid = (pos_c > 0.0) & (neg_c > 0.0)
        pos_m = pos_s / jnp.maximum(pos_c, 1.0)
        neg_m = neg_s / jnp.maximum(neg_c, 1.0)
        delta = pos_m - neg_m
        terms = jnp.where(valid, jnp.maximum(GAMMA - delta, 0.0), 0.0)
        ng = jnp.sum(valid.astype(jnp.float32))
        ldc = jnp.where(ng > 0.0, jnp.sum(terms) / jnp.maximum(ng, 1.0), 0.0)
        lce = -bce_acc[0, 0] / N
        out_ref[0, 0] = lce + LAM * ldc


def _tc_call(scores2, labels2, sums_p, cnts_p):
    return pl.pallas_call(
        _tc_body,
        grid=(GRID,),
        in_specs=[
            pl.BlockSpec((BROWS, COLS), lambda i: (i, 0)),
            pl.BlockSpec((BROWS, COLS), lambda i: (i, 0)),
            pl.BlockSpec((NC * NS, NB), lambda i: (0, 0)),
            pl.BlockSpec((NC * NS, NB), lambda i: (0, 0)),
        ],
        out_specs=pl.BlockSpec(memory_space=pltpu.SMEM),
        out_shape=jax.ShapeDtypeStruct((1, 1), jnp.float32),
        scratch_shapes=[pltpu.SMEM((1, 1), jnp.float32)],
    )(scores2, labels2, sums_p, cnts_p)


def kernel(scores, labels, qids):
    labels_i = labels.astype(jnp.int32)
    qids_i = qids.astype(jnp.int32)
    sums_o, cnts_o = _sc_call(scores, labels_i, qids_i)
    sums_p = sums_o.reshape(NC * NS, NB)
    cnts_p = cnts_o.reshape(NC * NS, NB)
    scores2 = scores.reshape(ROWS, COLS)
    labels2 = labels_i.reshape(ROWS, COLS)
    out = _tc_call(scores2, labels2, sums_p, cnts_p)
    return out[0, 0]

# --- scband reference (transcript-rebuilt; emitter-appended) ---
"""Pipeline reference for scband-dsrqsloss-31894427140770 (READ-ONLY COPY).

The authoritative reference and input builder live on the scoring server;
editing this copy changes nothing except your own understanding.
"""

import jax, jax.numpy as jnp
import numpy as np

N = 1048576
NUM_QIDS = 8192
LAM = 0.5
GAMMA = 0.2


def setup_inputs(seed: int = 0) -> dict:
    key = jax.random.key(seed)
    k1, k2, k3 = jax.random.split(key, 3)
    scores = jax.random.uniform(k1, (N,), dtype=jnp.float32)
    labels = jax.random.randint(k2, (N,), 0, 2, dtype=jnp.int64)
    qids = jnp.sort(jax.random.randint(k3, (N,), 0, NUM_QIDS, dtype=jnp.int64))
    return {"scores": scores, "labels": labels, "qids": qids}


def reference(scores, labels, qids):
    labels_f = labels.astype(jnp.float32)
    # BCE with torch-style log clamping at -100
    log_s = jnp.maximum(jnp.log(scores), -100.0)
    log_1ms = jnp.maximum(jnp.log1p(-scores), -100.0)
    lce = -jnp.mean(labels_f * log_s + (1.0 - labels_f) * log_1ms)

    # Per-qid group delta-contrast loss via segment reductions
    pos_mask = labels_f
    neg_mask = 1.0 - labels_f
    pos_sum = jax.ops.segment_sum(scores * pos_mask, qids, num_segments=NUM_QIDS)
    pos_cnt = jax.ops.segment_sum(pos_mask, qids, num_segments=NUM_QIDS)
    neg_sum = jax.ops.segment_sum(scores * neg_mask, qids, num_segments=NUM_QIDS)
    neg_cnt = jax.ops.segment_sum(neg_mask, qids, num_segments=NUM_QIDS)

    valid = (pos_cnt > 0) & (neg_cnt > 0)
    pos_mean = pos_sum / jnp.maximum(pos_cnt, 1.0)
    neg_mean = neg_sum / jnp.maximum(neg_cnt, 1.0)
    delta = pos_mean - neg_mean
    ldc_terms = jnp.where(valid, jax.nn.relu(GAMMA - delta), 0.0)
    n_groups = jnp.sum(valid.astype(jnp.float32))
    ldc = jnp.where(n_groups > 0, jnp.sum(ldc_terms) / jnp.maximum(n_groups, 1.0), 0.0)

    return lce + LAM * ldc

if __name__ == "__main__":
    import jax
    _d = setup_inputs()
    print(jax.jit(kernel)(*tuple(_d.values())))

</pallas_src>

<mosaic_0001>
#map = affine_map<(d0, d1) -> (0)>
#map1 = affine_map<(d0, d1) -> (0, 0, 0)>
module attributes {stable_mosaic.version = 14 : i64} {
  func.func @_sc_body(%arg0: i32, %arg1: i32, %arg2: memref<1048576xf32, #tpu.memory_space<hbm>>, %arg3: memref<1048576xi32, #tpu.memory_space<hbm>>, %arg4: memref<1048576xi32, #tpu.memory_space<hbm>>, %arg5: memref<2x16x16384xf32, #tpu.memory_space<hbm>>, %arg6: memref<2x16x16384xf32, #tpu.memory_space<hbm>>, %arg7: memref<8192xf32, #tpu.memory_space<vmem>>, %arg8: memref<8192xi32, #tpu.memory_space<vmem>>, %arg9: memref<8192xi32, #tpu.memory_space<vmem>>, %arg10: memref<8192xf32, #tpu.memory_space<vmem>>, %arg11: memref<8192xi32, #tpu.memory_space<vmem>>, %arg12: memref<8192xi32, #tpu.memory_space<vmem>>, %arg13: memref<16384xf32, #tpu.memory_space<vmem>>, %arg14: memref<16384xf32, #tpu.memory_space<vmem>>, %arg15: memref<!tpu.dma_semaphore, #tpu.memory_space<semaphore_mem>>, %arg16: memref<!tpu.dma_semaphore, #tpu.memory_space<semaphore_mem>>, %arg17: memref<!tpu.dma_semaphore, #tpu.memory_space<semaphore_mem>>) attributes {dimension_semantics = [#tpu.dimension_semantics<core_parallel>, #tpu.dimension_semantics<subcore_parallel>], iteration_bounds = array<i64: 2, 16>, scalar_prefetch = 0 : i64, scratch_operands = 11 : i64, tpu.core_type = #tpu.core_type<sc_vector_subcore>, window_params = [{transform_indices = #map}, {transform_indices = #map}, {transform_indices = #map}, {transform_indices = #map1}, {transform_indices = #map1}]} {
    %mul3A = arith.constant 16 : i32
    %mul3A_0 = arith.muli %arg0, %mul3A : i32
    %add3A = arith.addi %mul3A_0, %arg1 : i32
    %mul3A_1 = arith.constant 32768 : i32
    %mul3A_2 = arith.muli %add3A, %mul3A_1 : i32
    %add3A_3 = arith.constant 0 : i32
    %add3A_4 = arith.addi %mul3A_2, %add3A_3 : i32
    %dma_start3A = tpu.memref_slice %arg2[%add3A_4] : memref<1048576xf32, #tpu.memory_space<hbm>> -> memref<8192xf32, #tpu.memory_space<hbm>>
    %dma_start3A_5 = tpu.memref_slice %arg2[%add3A_4] : memref<1048576xf32, #tpu.memory_space<hbm>> -> memref<8192xf32, #tpu.memory_space<hbm>>
    tpu.enqueue_dma source(%dma_start3A_5 : memref<8192xf32, #tpu.memory_space<hbm>>) target(%arg7 : memref<8192xf32, #tpu.memory_space<vmem>>) target_semaphore(%arg15 : memref<!tpu.dma_semaphore, #tpu.memory_space<semaphore_mem>>)
    %dma_start3A_6 = tpu.memref_slice %arg3[%add3A_4] : memref<1048576xi32, #tpu.memory_space<hbm>> -> memref<8192xi32, #tpu.memory_space<hbm>>
    %dma_start3A_7 = tpu.memref_slice %arg3[%add3A_4] : memref<1048576xi32, #tpu.memory_space<hbm>> -> memref<8192xi32, #tpu.memory_space<hbm>>
    tpu.enqueue_dma source(%dma_start3A_7 : memref<8192xi32, #tpu.memory_space<hbm>>) target(%arg8 : memref<8192xi32, #tpu.memory_space<vmem>>) target_semaphore(%arg15 : memref<!tpu.dma_semaphore, #tpu.memory_space<semaphore_mem>>)
    %dma_start3A_8 = tpu.memref_slice %arg4[%add3A_4] : memref<1048576xi32, #tpu.memory_space<hbm>> -> memref<8192xi32, #tpu.memory_space<hbm>>
    %dma_start3A_9 = tpu.memref_slice %arg4[%add3A_4] : memref<1048576xi32, #tpu.memory_space<hbm>> -> memref<8192xi32, #tpu.memory_space<hbm>>
    tpu.enqueue_dma source(%dma_start3A_9 : memref<8192xi32, #tpu.memory_space<hbm>>) target(%arg9 : memref<8192xi32, #tpu.memory_space<vmem>>) target_semaphore(%arg15 : memref<!tpu.dma_semaphore, #tpu.memory_space<semaphore_mem>>)
    %parallel_loop3A = arith.constant 0 : i32
    %parallel_loop3A_10 = arith.constant 1024 : i32
    %parallel_loop3A_11 = arith.constant 1 : i32
    scf.for %parallel_loop3A_104 = %parallel_loop3A to %parallel_loop3A_10 step %parallel_loop3A_11  : i32 {
      %parallel_loop3A_105 = arith.constant 0.000000e+00 : f32
      %parallel_loop3A_106 = vector.broadcast %parallel_loop3A_105 : f32 to vector<16xf32>
      %parallel_loop3A_107 = arith.constant 16 : i32
      %parallel_loop3A_108 = arith.muli %parallel_loop3A_104, %parallel_loop3A_107 : i32
      %parallel_loop3A_109 = arith.index_cast %parallel_loop3A_108 : i32 to index
      %parallel_loop3A_110 = tpu.vector_load %arg13[%parallel_loop3A_109] {strides = array<i32>} : memref<16384xf32, #tpu.memory_space<vmem>>, vector<16xf32>,
      tpu.vector_store %arg13[%parallel_loop3A_109], %parallel_loop3A_106 {strides = array<i32>} : memref<16384xf32, #tpu.memory_space<vmem>>, vector<16xf32>,
      %parallel_loop3A_111 = arith.constant 0.000000e+00 : f32
      %parallel_loop3A_112 = vector.broadcast %parallel_loop3A_111 : f32 to vector<16xf32>
      %parallel_loop3A_113 = arith.constant 16 : i32
      %parallel_loop3A_114 = arith.muli %parallel_loop3A_104, %parallel_loop3A_113 : i32
      %parallel_loop3A_115 = arith.index_cast %parallel_loop3A_114 : i32 to index
      %parallel_loop3A_116 = tpu.vector_load %arg14[%parallel_loop3A_115] {strides = array<i32>} : memref<16384xf32, #tpu.memory_space<vmem>>, vector<16xf32>,
      tpu.vector_store %arg14[%parallel_loop3A_115], %parallel_loop3A_112 {strides = array<i32>} : memref<16384xf32, #tpu.memory_space<vmem>>, vector<16xf32>,
    } {sc.loop_unroll_factor = 8 : i64, sc.parallel_access}
    %iota3A = tpu.iota {dimensions = array<i32: 0>} : vector<16xi32>
    %broadcast_in_dim3A = arith.constant 1.000000e+00 : f32
    %broadcast_in_dim3A_12 = vector.broadcast %broadcast_in_dim3A : f32 to vector<16xf32>
    %xor3A = arith.constant 1 : i32
    %xor3A_13 = vector.broadcast %xor3A : i32 to vector<16xi32>
    %xor3A_14 = arith.xori %iota3A, %xor3A_13 : vector<16xi32>
    %xor3A_15 = arith.constant 2 : i32
    %xor3A_16 = vector.broadcast %xor3A_15 : i32 to vector<16xi32>
    %xor3A_17 = arith.xori %iota3A, %xor3A_16 : vector<16xi32>
    %xor3A_18 = arith.constant 4 : i32
    %xor3A_19 = vector.broadcast %xor3A_18 : i32 to vector<16xi32>
    %xor3A_20 = arith.xori %iota3A, %xor3A_19 : vector<16xi32>
    %dma_wait3A = tpu.memref_slice %arg2[%add3A_4] : memref<1048576xf32, #tpu.memory_space<hbm>> -> memref<8192xf32, #tpu.memory_space<hbm>>
    %dma_wait3A_21 = tpu.memref_slice %arg2[%add3A_4] : memref<1048576xf32, #tpu.memory_space<hbm>> -> memref<8192xf32, #tpu.memory_space<hbm>>
    tpu.wait_dma2 semaphore(%arg15 : memref<!tpu.dma_semaphore, #tpu.memory_space<semaphore_mem>>) src(%dma_wait3A_21 : memref<8192xf32, #tpu.memory_space<hbm>>) dst(%arg7 : memref<8192xf32, #tpu.memory_space<vmem>>)
    %dma_wait3A_22 = tpu.memref_slice %arg3[%add3A_4] : memref<1048576xi32, #tpu.memory_space<hbm>> -> memref<8192xi32, #tpu.memory_space<hbm>>
    %dma_wait3A_23 = tpu.memref_slice %arg3[%add3A_4] : memref<1048576xi32, #tpu.memory_space<hbm>> -> memref<8192xi32, #tpu.memory_space<hbm>>
    tpu.wait_dma2 semaphore(%arg15 : memref<!tpu.dma_semaphore, #tpu.memory_space<semaphore_mem>>) src(%dma_wait3A_23 : memref<8192xi32, #tpu.memory_space<hbm>>) dst(%arg8 : memref<8192xi32, #tpu.memory_space<vmem>>)
    %dma_wait3A_24 = tpu.memref_slice %arg4[%add3A_4] : memref<1048576xi32, #tpu.memory_space<hbm>> -> memref<8192xi32, #tpu.memory_space<hbm>>
    %dma_wait3A_25 = tpu.memref_slice %arg4[%add3A_4] : memref<1048576xi32, #tpu.memory_space<hbm>> -> memref<8192xi32, #tpu.memory_space<hbm>>
    tpu.wait_dma2 semaphore(%arg15 : memref<!tpu.dma_semaphore, #tpu.memory_space<semaphore_mem>>) src(%dma_wait3A_25 : memref<8192xi32, #tpu.memory_space<hbm>>) dst(%arg9 : memref<8192xi32, #tpu.memory_space<vmem>>)
    %add3A_26 = arith.constant 8192 : i32
    %add3A_27 = arith.addi %mul3A_2, %add3A_26 : i32
    %dma_start3A_28 = tpu.memref_slice %arg2[%add3A_27] : memref<1048576xf32, #tpu.memory_space<hbm>> -> memref<8192xf32, #tpu.memory_space<hbm>>
    %dma_start3A_29 = tpu.memref_slice %arg2[%add3A_27] : memref<1048576xf32, #tpu.memory_space<hbm>> -> memref<8192xf32, #tpu.memory_space<hbm>>
    tpu.enqueue_dma source(%dma_start3A_29 : memref<8192xf32, #tpu.memory_space<hbm>>) target(%arg10 : memref<8192xf32, #tpu.memory_space<vmem>>) target_semaphore(%arg16 : memref<!tpu.dma_semaphore, #tpu.memory_space<semaphore_mem>>)
    %dma_start3A_30 = tpu.memref_slice %arg3[%add3A_27] : memref<1048576xi32, #tpu.memory_space<hbm>> -> memref<8192xi32, #tpu.memory_space<hbm>>
    %dma_start3A_31 = tpu.memref_slice %arg3[%add3A_27] : memref<1048576xi32, #tpu.memory_space<hbm>> -> memref<8192xi32, #tpu.memory_space<hbm>>
    tpu.enqueue_dma source(%dma_start3A_31 : memref<8192xi32, #tpu.memory_space<hbm>>) target(%arg11 : memref<8192xi32, #tpu.memory_space<vmem>>) target_semaphore(%arg16 : memref<!tpu.dma_semaphore, #tpu.memory_space<semaphore_mem>>)
    %dma_start3A_32 = tpu.memref_slice %arg4[%add3A_27] : memref<1048576xi32, #tpu.memory_space<hbm>> -> memref<8192xi32, #tpu.memory_space<hbm>>
    %dma_start3A_33 = tpu.memref_slice %arg4[%add3A_27] : memref<1048576xi32, #tpu.memory_space<hbm>> -> memref<8192xi32, #tpu.memory_space<hbm>>
    tpu.enqueue_dma source(%dma_start3A_33 : memref<8192xi32, #tpu.memory_space<hbm>>) target(%arg12 : memref<8192xi32, #tpu.memory_space<vmem>>) target_semaphore(%arg16 : memref<!tpu.dma_semaphore, #tpu.memory_space<semaphore_mem>>)
    %parallel_loop3A_34 = arith.constant 0 : i32
    %parallel_loop3A_35 = arith.constant 512 : i32
    %parallel_loop3A_36 = arith.constant 1 : i32
    scf.for %parallel_loop3A_104 = %parallel_loop3A_34 to %parallel_loop3A_35 step %parallel_loop3A_36  : i32 {
      %parallel_loop3A_105 = arith.constant 16 : i32
      %parallel_loop3A_106 = arith.muli %parallel_loop3A_104, %parallel_loop3A_105 : i32
      %parallel_loop3A_107 = arith.index_cast %parallel_loop3A_106 : i32 to index
      %parallel_loop3A_108 = tpu.vector_load %arg9[%parallel_loop3A_107] {strides = array<i32>} : memref<8192xi32, #tpu.memory_space<vmem>>, vector<16xi32>,
      %parallel_loop3A_109 = arith.constant 16 : i32
      %parallel_loop3A_110 = arith.muli %parallel_loop3A_104, %parallel_loop3A_109 : i32
      %parallel_loop3A_111 = arith.index_cast %parallel_loop3A_110 : i32 to index
      %parallel_loop3A_112 = tpu.vector_load %arg8[%parallel_loop3A_111] {strides = array<i32>} : memref<8192xi32, #tpu.memory_space<vmem>>, vector<16xi32>,
      %parallel_loop3A_113 = arith.constant 16 : i32
      %parallel_loop3A_114 = arith.muli %parallel_loop3A_104, %parallel_loop3A_113 : i32
      %parallel_loop3A_115 = arith.index_cast %parallel_loop3A_114 : i32 to index
      %parallel_loop3A_116 = tpu.vector_load %arg7[%parallel_loop3A_115] {strides = array<i32>} : memref<8192xf32, #tpu.memory_space<vmem>>, vector<16xf32>,
      %parallel_loop3A_117 = arith.constant 13 : i32
      %parallel_loop3A_118 = vector.broadcast %parallel_loop3A_117 : i32 to vector<16xi32>
      %parallel_loop3A_119 = arith.shli %parallel_loop3A_112, %parallel_loop3A_118 : vector<16xi32>
      %parallel_loop3A_120 = arith.addi %parallel_loop3A_108, %parallel_loop3A_119 : vector<16xi32>
      %parallel_loop3A_121 = arith.constant 0.000000e+00 : f32
      %parallel_loop3A_122 = vector.broadcast %parallel_loop3A_121 : f32 to vector<16xf32>
      %parallel_loop3A_123 = arith.mulf %parallel_loop3A_122, %parallel_loop3A_116 : vector<16xf32>
      %parallel_loop3A_124 = arith.addf %broadcast_in_dim3A_12, %parallel_loop3A_123 : vector<16xf32>
      %parallel_loop3A_125 = arith.cmpi eq, %parallel_loop3A_120, %parallel_loop3A_120 : vector<16xi32>
      %parallel_loop3A_126 = arith.constant 1 : i32
      %parallel_loop3A_127 = arith.constant 0 : i32
      %parallel_loop3A_128 = vector.broadcast %parallel_loop3A_126 : i32 to vector<16xi32>
      %parallel_loop3A_129 = vector.broadcast %parallel_loop3A_127 : i32 to vector<16xi32>
      %parallel_loop3A_130 = arith.select %parallel_loop3A_125, %parallel_loop3A_128, %parallel_loop3A_129 : vector<16xi1>, vector<16xi32>
      %parallel_loop3A_131 = arith.constant 16 : i32
      %parallel_loop3A_132 = arith.constant 0 : i32
      %parallel_loop3A_133 = arith.cmpi eq, %parallel_loop3A_131, %parallel_loop3A_132 : i32
      %parallel_loop3A_134 = arith.constant 1 : i32
      %parallel_loop3A_135 = arith.select %parallel_loop3A_133, %parallel_loop3A_134, %parallel_loop3A_131 : i32
      %parallel_loop3A_136 = vector.broadcast %parallel_loop3A_135 : i32 to vector<16xi32>
      %parallel_loop3A_137 = arith.remsi %xor3A_14, %parallel_loop3A_136 : vector<16xi32>
      %parallel_loop3A_138 = arith.constant 0 : i32
      %parallel_loop3A_139 = vector.broadcast %parallel_loop3A_138 : i32 to vector<16xi32>
      %parallel_loop3A_140 = arith.cmpi ne, %parallel_loop3A_137, %parallel_loop3A_139 : vector<16xi32>
      %parallel_loop3A_141 = arith.constant 0 : i32
      %parallel_loop3A_142 = vector.broadcast %parallel_loop3A_141 : i32 to vector<16xi32>
      %parallel_loop3A_143 = arith.cmpi slt, %parallel_loop3A_137, %parallel_loop3A_142 : vector<16xi32>
      %parallel_loop3A_144 = arith.constant 0 : i32
      %parallel_loop3A_145 = arith.cmpi slt, %parallel_loop3A_135, %parallel_loop3A_144 : i32
      %parallel_loop3A_146 = vector.broadcast %parallel_loop3A_145 : i1 to vector<16xi1>
      %parallel_loop3A_147 = vector.broadcast %parallel_loop3A_146 : vector<16xi1> to vector<16xi1>
      %parallel_loop3A_148 = arith.xori %parallel_loop3A_143, %parallel_loop3A_147 : vector<16xi1>
      %parallel_loop3A_149 = arith.andi %parallel_loop3A_148, %parallel_loop3A_140 : vector<16xi1>
      %parallel_loop3A_150 = vector.broadcast %parallel_loop3A_135 : i32 to vector<16xi32>
      %parallel_loop3A_151 = arith.addi %parallel_loop3A_137, %parallel_loop3A_150 : vector<16xi32>
      %parallel_loop3A_152 = arith.select %parallel_loop3A_149, %parallel_loop3A_151, %parallel_loop3A_137 : vector<16xi1>, vector<16xi32>
      %parallel_loop3A_153 = vector.shape_cast %parallel_loop3A_152 : vector<16xi32> to vector<16x1xi32>
      %parallel_loop3A_154 = vector.shape_cast %parallel_loop3A_153 : vector<16x1xi32> to vector<16xi32>
      %parallel_loop3A_155 = tpu.dynamic_gather %parallel_loop3A_120[%parallel_loop3A_154] in [0] : vector<16xi32>, vector<16xi32> -> vector<16xi32>
      %parallel_loop3A_156 = arith.constant 16 : i32
      %parallel_loop3A_157 = arith.constant 0 : i32
      %parallel_loop3A_158 = arith.cmpi eq, %parallel_loop3A_156, %parallel_loop3A_157 : i32
      %parallel_loop3A_159 = arith.constant 1 : i32
      %parallel_loop3A_160 = arith.select %parallel_loop3A_158, %parallel_loop3A_159, %parallel_loop3A_156 : i32
      %parallel_loop3A_161 = vector.broadcast %parallel_loop3A_160 : i32 to vector<16xi32>
      %parallel_loop3A_162 = arith.remsi %xor3A_14, %parallel_loop3A_161 : vector<16xi32>
      %parallel_loop3A_163 = arith.constant 0 : i32
      %parallel_loop3A_164 = vector.broadcast %parallel_loop3A_163 : i32 to vector<16xi32>
      %parallel_loop3A_165 = arith.cmpi ne, %parallel_loop3A_162, %parallel_loop3A_164 : vector<16xi32>
      %parallel_loop3A_166 = arith.constant 0 : i32
      %parallel_loop3A_167 = vector.broadcast %parallel_loop3A_166 : i32 to vector<16xi32>
      %parallel_loop3A_168 = arith.cmpi slt, %parallel_loop3A_162, %parallel_loop3A_167 : vector<16xi32>
      %parallel_loop3A_169 = arith.constant 0 : i32
      %parallel_loop3A_170 = arith.cmpi slt, %parallel_loop3A_160, %parallel_loop3A_169 : i32
      %parallel_loop3A_171 = vector.broadcast %parallel_loop3A_170 : i1 to vector<16xi1>
      %parallel_loop3A_172 = vector.broadcast %parallel_loop3A_171 : vector<16xi1> to vector<16xi1>
      %parallel_loop3A_173 = arith.xori %parallel_loop3A_168, %parallel_loop3A_172 : vector<16xi1>
      %parallel_loop3A_174 = arith.andi %parallel_loop3A_173, %parallel_loop3A_165 : vector<16xi1>
      %parallel_loop3A_175 = vector.broadcast %parallel_loop3A_160 : i32 to vector<16xi32>
      %parallel_loop3A_176 = arith.addi %parallel_loop3A_162, %parallel_loop3A_175 : vector<16xi32>
      %parallel_loop3A_177 = arith.select %parallel_loop3A_174, %parallel_loop3A_176, %parallel_loop3A_162 : vector<16xi1>, vector<16xi32>
      %parallel_loop3A_178 = vector.shape_cast %parallel_loop3A_177 : vector<16xi32> to vector<16x1xi32>
      %parallel_loop3A_179 = vector.shape_cast %parallel_loop3A_178 : vector<16x1xi32> to vector<16xi32>
      %parallel_loop3A_180 = tpu.dynamic_gather %parallel_loop3A_116[%parallel_loop3A_179] in [0] : vector<16xf32>, vector<16xi32> -> vector<16xf32>
      %parallel_loop3A_181 = arith.constant 16 : i32
      %parallel_loop3A_182 = arith.constant 0 : i32
      %parallel_loop3A_183 = arith.cmpi eq, %parallel_loop3A_181, %parallel_loop3A_182 : i32
      %parallel_loop3A_184 = arith.constant 1 : i32
      %parallel_loop3A_185 = arith.select %parallel_loop3A_183, %parallel_loop3A_184, %parallel_loop3A_181 : i32
      %parallel_loop3A_186 = vector.broadcast %parallel_loop3A_185 : i32 to vector<16xi32>
      %parallel_loop3A_187 = arith.remsi %xor3A_14, %parallel_loop3A_186 : vector<16xi32>
      %parallel_loop3A_188 = arith.constant 0 : i32
      %parallel_loop3A_189 = vector.broadcast %parallel_loop3A_188 : i32 to vector<16xi32>
      %parallel_loop3A_190 = arith.cmpi ne, %parallel_loop3A_187, %parallel_loop3A_189 : vector<16xi32>
      %parallel_loop3A_191 = arith.constant 0 : i32
      %parallel_loop3A_192 = vector.broadcast %parallel_loop3A_191 : i32 to vector<16xi32>
      %parallel_loop3A_193 = arith.cmpi slt, %parallel_loop3A_187, %parallel_loop3A_192 : vector<16xi32>
      %parallel_loop3A_194 = arith.constant 0 : i32
      %parallel_loop3A_195 = arith.cmpi slt, %parallel_loop3A_185, %parallel_loop3A_194 : i32
      %parallel_loop3A_196 = vector.broadcast %parallel_loop3A_195 : i1 to vector<16xi1>
      %parallel_loop3A_197 = vector.broadcast %parallel_loop3A_196 : vector<16xi1> to vector<16xi1>
      %parallel_loop3A_198 = arith.xori %parallel_loop3A_193, %parallel_loop3A_197 : vector<16xi1>
      %parallel_loop3A_199 = arith.andi %parallel_loop3A_198, %parallel_loop3A_190 : vector<16xi1>
      %parallel_loop3A_200 = vector.broadcast %parallel_loop3A_185 : i32 to vector<16xi32>
      %parallel_loop3A_201 = arith.addi %parallel_loop3A_187, %parallel_loop3A_200 : vector<16xi32>
      %parallel_loop3A_202 = arith.select %parallel_loop3A_199, %parallel_loop3A_201, %parallel_loop3A_187 : vector<16xi1>, vector<16xi32>
      %parallel_loop3A_203 = vector.shape_cast %parallel_loop3A_202 : vector<16xi32> to vector<16x1xi32>
      %parallel_loop3A_204 = vector.shape_cast %parallel_loop3A_203 : vector<16x1xi32> to vector<16xi32>
      %parallel_loop3A_205 = tpu.dynamic_gather %parallel_loop3A_124[%parallel_loop3A_204] in [0] : vector<16xf32>, vector<16xi32> -> vector<16xf32>
      %parallel_loop3A_206 = arith.constant 16 : i32
      %parallel_loop3A_207 = arith.constant 0 : i32
      %parallel_loop3A_208 = arith.cmpi eq, %parallel_loop3A_206, %parallel_loop3A_207 : i32
      %parallel_loop3A_209 = arith.constant 1 : i32
      %parallel_loop3A_210 = arith.select %parallel_loop3A_208, %parallel_loop3A_209, %parallel_loop3A_206 : i32
      %parallel_loop3A_211 = vector.broadcast %parallel_loop3A_210 : i32 to vector<16xi32>
      %parallel_loop3A_212 = arith.remsi %xor3A_14, %parallel_loop3A_211 : vector<16xi32>
      %parallel_loop3A_213 = arith.constant 0 : i32
      %parallel_loop3A_214 = vector.broadcast %parallel_loop3A_213 : i32 to vector<16xi32>
      %parallel_loop3A_215 = arith.cmpi ne, %parallel_loop3A_212, %parallel_loop3A_214 : vector<16xi32>
      %parallel_loop3A_216 = arith.constant 0 : i32
      %parallel_loop3A_217 = vector.broadcast %parallel_loop3A_216 : i32 to vector<16xi32>
      %parallel_loop3A_218 = arith.cmpi slt, %parallel_loop3A_212, %parallel_loop3A_217 : vector<16xi32>
      %parallel_loop3A_219 = arith.constant 0 : i32
      %parallel_loop3A_220 = arith.cmpi slt, %parallel_loop3A_210, %parallel_loop3A_219 : i32
      %parallel_loop3A_221 = vector.broadcast %parallel_loop3A_220 : i1 to vector<16xi1>
      %parallel_loop3A_222 = vector.broadcast %parallel_loop3A_221 : vector<16xi1> to vector<16xi1>
      %parallel_loop3A_223 = arith.xori %parallel_loop3A_218, %parallel_loop3A_222 : vector<16xi1>
      %parallel_loop3A_224 = arith.andi %parallel_loop3A_223, %parallel_loop3A_215 : vector<16xi1>
      %parallel_loop3A_225 = vector.broadcast %parallel_loop3A_210 : i32 to vector<16xi32>
      %parallel_loop3A_226 = arith.addi %parallel_loop3A_212, %parallel_loop3A_225 : vector<16xi32>
      %parallel_loop3A_227 = arith.select %parallel_loop3A_224, %parallel_loop3A_226, %parallel_loop3A_212 : vector<16xi1>, vector<16xi32>
      %parallel_loop3A_228 = vector.shape_cast %parallel_loop3A_227 : vector<16xi32> to vector<16x1xi32>
      %parallel_loop3A_229 = vector.shape_cast %parallel_loop3A_228 : vector<16x1xi32> to vector<16xi32>
      %parallel_loop3A_230 = tpu.dynamic_gather %parallel_loop3A_130[%parallel_loop3A_229] in [0] : vector<16xi32>, vector<16xi32> -> vector<16xi32>
      %parallel_loop3A_231 = arith.cmpi eq, %parallel_loop3A_120, %parallel_loop3A_155 : vector<16xi32>
      %parallel_loop3A_232 = arith.constant 1 : i32
      %parallel_loop3A_233 = vector.broadcast %parallel_loop3A_232 : i32 to vector<16xi32>
      %parallel_loop3A_234 = arith.cmpi eq, %parallel_loop3A_130, %parallel_loop3A_233 : vector<16xi32>
      %parallel_loop3A_235 = arith.andi %parallel_loop3A_231, %parallel_loop3A_234 : vector<16xi1>
      %parallel_loop3A_236 = arith.constant 1 : i32
      %parallel_loop3A_237 = vector.broadcast %parallel_loop3A_236 : i32 to vector<16xi32>
      %parallel_loop3A_238 = arith.cmpi eq, %parallel_loop3A_230, %parallel_loop3A_237 : vector<16xi32>
      %parallel_loop3A_239 = arith.andi %parallel_loop3A_235, %parallel_loop3A_238 : vector<16xi1>
      %parallel_loop3A_240 = arith.constant 0.000000e+00 : f32
      %parallel_loop3A_241 = vector.broadcast %parallel_loop3A_240 : f32 to vector<16xf32>
      %parallel_loop3A_242 = arith.select %parallel_loop3A_239, %parallel_loop3A_180, %parallel_loop3A_241 : vector<16xi1>, vector<16xf32>
      %parallel_loop3A_243 = arith.addf %parallel_loop3A_116, %parallel_loop3A_242 : vector<16xf32>
      %parallel_loop3A_244 = arith.constant 0.000000e+00 : f32
      %parallel_loop3A_245 = vector.broadcast %parallel_loop3A_244 : f32 to vector<16xf32>
      %parallel_loop3A_246 = arith.select %parallel_loop3A_239, %parallel_loop3A_205, %parallel_loop3A_245 : vector<16xi1>, vector<16xf32>
      %parallel_loop3A_247 = arith.addf %parallel_loop3A_124, %parallel_loop3A_246 : vector<16xf32>
      %parallel_loop3A_248 = arith.constant 1 : i32
      %parallel_loop3A_249 = vector.broadcast %parallel_loop3A_248 : i32 to vector<16xi32>
      %parallel_loop3A_250 = arith.andi %iota3A, %parallel_loop3A_249 : vector<16xi32>
      %parallel_loop3A_251 = arith.constant 0 : i32
      %parallel_loop3A_252 = vector.broadcast %parallel_loop3A_251 : i32 to vector<16xi32>
      %parallel_loop3A_253 = arith.cmpi ne, %parallel_loop3A_250, %parallel_loop3A_252 : vector<16xi32>
      %parallel_loop3A_254 = arith.andi %parallel_loop3A_239, %parallel_loop3A_253 : vector<16xi1>
      %parallel_loop3A_255 = arith.constant 0 : i32
      %parallel_loop3A_256 = vector.broadcast %parallel_loop3A_255 : i32 to vector<16xi32>
      %parallel_loop3A_257 = arith.select %parallel_loop3A_254, %parallel_loop3A_256, %parallel_loop3A_130 : vector<16xi1>, vector<16xi32>
      %parallel_loop3A_258 = arith.constant 1 : i32
      %parallel_loop3A_259 = vector.broadcast %parallel_loop3A_258 : i32 to vector<16xi32>
      %parallel_loop3A_260 = arith.cmpi eq, %parallel_loop3A_257, %parallel_loop3A_259 : vector<16xi32>
      tpu.vector_store_idx %arg13[%parallel_loop3A_120], %parallel_loop3A_243 masked %parallel_loop3A_260 {add = true} : memref<16384xf32, #tpu.memory_space<vmem>>[vector<16xi32>], vector<16xf32>, vector<16xi1>
      tpu.vector_store_idx %arg14[%parallel_loop3A_120], %parallel_loop3A_247 masked %parallel_loop3A_260 {add = true} : memref<16384xf32, #tpu.memory_space<vmem>>[vector<16xi32>], vector<16xf32>, vector<16xi1>
    } {sc.loop_unroll_factor = 8 : i64, sc.parallel_access}
    %dma_wait3A_37 = tpu.memref_slice %arg2[%add3A_27] : memref<1048576xf32, #tpu.memory_space<hbm>> -> memref<8192xf32, #tpu.memory_space<hbm>>
    %dma_wait3A_38 = tpu.memref_slice %arg2[%add3A_27] : memref<1048576xf32, #tpu.memory_space<hbm>> -> memref<8192xf32, #tpu.memory_space<hbm>>
    tpu.wait_dma2 semaphore(%arg16 : memref<!tpu.dma_semaphore, #tpu.memory_space<semaphore_mem>>) src(%dma_wait3A_38 : memref<8192xf32, #tpu.memory_space<hbm>>) dst(%arg10 : memref<8192xf32, #tpu.memory_space<vmem>>)
    %dma_wait3A_39 = tpu.memref_slice %arg3[%add3A_27] : memref<1048576xi32, #tpu.memory_space<hbm>> -> memref<8192xi32, #tpu.memory_space<hbm>>
    %dma_wait3A_40 = tpu.memref_slice %arg3[%add3A_27] : memref<1048576xi32, #tpu.memory_space<hbm>> -> memref<8192xi32, #tpu.memory_space<hbm>>
    tpu.wait_dma2 semaphore(%arg16 : memref<!tpu.dma_semaphore, #tpu.memory_space<semaphore_mem>>) src(%dma_wait3A_40 : memref<8192xi32, #tpu.memory_space<hbm>>) dst(%arg11 : memref<8192xi32, #tpu.memory_space<vmem>>)
    %dma_wait3A_41 = tpu.memref_slice %arg4[%add3A_27] : memref<1048576xi32, #tpu.memory_space<hbm>> -> memref<8192xi32, #tpu.memory_space<hbm>>
    %dma_wait3A_42 = tpu.memref_slice %arg4[%add3A_27] : memref<1048576xi32, #tpu.memory_space<hbm>> -> memref<8192xi32, #tpu.memory_space<hbm>>
    tpu.wait_dma2 semaphore(%arg16 : memref<!tpu.dma_semaphore, #tpu.memory_space<semaphore_mem>>) src(%dma_wait3A_42 : memref<8192xi32, #tpu.memory_space<hbm>>) dst(%arg12 : memref<8192xi32, #tpu.memory_space<vmem>>)
    %add3A_43 = arith.constant 16384 : i32
    %add3A_44 = arith.addi %mul3A_2, %add3A_43 : i32
    %dma_start3A_45 = tpu.memref_slice %arg2[%add3A_44] : memref<1048576xf32, #tpu.memory_space<hbm>> -> memref<8192xf32, #tpu.memory_space<hbm>>
    %dma_start3A_46 = tpu.memref_slice %arg2[%add3A_44] : memref<1048576xf32, #tpu.memory_space<hbm>> -> memref<8192xf32, #tpu.memory_space<hbm>>
    tpu.enqueue_dma source(%dma_start3A_46 : memref<8192xf32, #tpu.memory_space<hbm>>) target(%arg7 : memref<8192xf32, #tpu.memory_space<vmem>>) target_semaphore(%arg15 : memref<!tpu.dma_semaphore, #tpu.memory_space<semaphore_mem>>)
    %dma_start3A_47 = tpu.memref_slice %arg3[%add3A_44] : memref<1048576xi32, #tpu.memory_space<hbm>> -> memref<8192xi32, #tpu.memory_space<hbm>>
    %dma_start3A_48 = tpu.memref_slice %arg3[%add3A_44] : memref<1048576xi32, #tpu.memory_space<hbm>> -> memref<8192xi32, #tpu.memory_space<hbm>>
    tpu.enqueue_dma source(%dma_start3A_48 : memref<8192xi32, #tpu.memory_space<hbm>>) target(%arg8 : memref<8192xi32, #tpu.memory_space<vmem>>) target_semaphore(%arg15 : memref<!tpu.dma_semaphore, #tpu.memory_space<semaphore_mem>>)
    %dma_start3A_49 = tpu.memref_slice %arg4[%add3A_44] : memref<1048576xi32, #tpu.memory_space<hbm>> -> memref<8192xi32, #tpu.memory_space<hbm>>
    %dma_start3A_50 = tpu.memref_slice %arg4[%add3A_44] : memref<1048576xi32, #tpu.memory_space<hbm>> -> memref<8192xi32, #tpu.memory_space<hbm>>
    tpu.enqueue_dma source(%dma_start3A_50 : memref<8192xi32, #tpu.memory_space<hbm>>) target(%arg9 : memref<8192xi32, #tpu.memory_space<vmem>>) target_semaphore(%arg15 : memref<!tpu.dma_semaphore, #tpu.memory_space<semaphore_mem>>)
    %parallel_loop3A_51 = arith.constant 0 : i32
    %parallel_loop3A_52 = arith.constant 512 : i32
    %parallel_loop3A_53 = arith.constant 1 : i32
    scf.for %parallel_loop3A_104 = %parallel_loop3A_51 to %parallel_loop3A_52 step %parallel_loop3A_53  : i32 {
      %parallel_loop3A_105 = arith.constant 16 : i32
      %parallel_loop3A_106 = arith.muli %parallel_loop3A_104, %parallel_loop3A_105 : i32
      %parallel_loop3A_107 = arith.index_cast %parallel_loop3A_106 : i32 to index
      %parallel_loop3A_108 = tpu.vector_load %arg12[%parallel_loop3A_107] {strides = array<i32>} : memref<8192xi32, #tpu.memory_space<vmem>>, vector<16xi32>,
      %parallel_loop3A_109 = arith.constant 16 : i32
      %parallel_loop3A_110 = arith.muli %parallel_loop3A_104, %parallel_loop3A_109 : i32
      %parallel_loop3A_111 = arith.index_cast %parallel_loop3A_110 : i32 to index
      %parallel_loop3A_112 = tpu.vector_load %arg11[%parallel_loop3A_111] {strides = array<i32>} : memref<8192xi32, #tpu.memory_space<vmem>>, vector<16xi32>,
      %parallel_loop3A_113 = arith.constant 16 : i32
      %parallel_loop3A_114 = arith.muli %parallel_loop3A_104, %parallel_loop3A_113 : i32
      %parallel_loop3A_115 = arith.index_cast %parallel_loop3A_114 : i32 to index
      %parallel_loop3A_116 = tpu.vector_load %arg10[%parallel_loop3A_115] {strides = array<i32>} : memref<8192xf32, #tpu.memory_space<vmem>>, vector<16xf32>,
      %parallel_loop3A_117 = arith.constant 13 : i32
      %parallel_loop3A_118 = vector.broadcast %parallel_loop3A_117 : i32 to vector<16xi32>
      %parallel_loop3A_119 = arith.shli %parallel_loop3A_112, %parallel_loop3A_118 : vector<16xi32>
      %parallel_loop3A_120 = arith.addi %parallel_loop3A_108, %parallel_loop3A_119 : vector<16xi32>
      %parallel_loop3A_121 = arith.constant 0.000000e+00 : f32
      %parallel_loop3A_122 = vector.broadcast %parallel_loop3A_121 : f32 to vector<16xf32>
      %parallel_loop3A_123 = arith.mulf %parallel_loop3A_122, %parallel_loop3A_116 : vector<16xf32>
      %parallel_loop3A_124 = arith.addf %broadcast_in_dim3A_12, %parallel_loop3A_123 : vector<16xf32>
      %parallel_loop3A_125 = arith.cmpi eq, %parallel_loop3A_120, %parallel_loop3A_120 : vector<16xi32>
      %parallel_loop3A_126 = arith.constant 1 : i32
      %parallel_loop3A_127 = arith.constant 0 : i32
      %parallel_loop3A_128 = vector.broadcast %parallel_loop3A_126 : i32 to vector<16xi32>
      %parallel_loop3A_129 = vector.broadcast %parallel_loop3A_127 : i32 to vector<16xi32>
      %parallel_loop3A_130 = arith.select %parallel_loop3A_125, %parallel_loop3A_128, %parallel_loop3A_129 : vector<16xi1>, vector<16xi32>
      %parallel_loop3A_131 = arith.constant 16 : i32
      %parallel_loop3A_132 = arith.constant 0 : i32
      %parallel_loop3A_133 = arith.cmpi eq, %parallel_loop3A_131, %parallel_loop3A_132 : i32
      %parallel_loop3A_134 = arith.constant 1 : i32
      %parallel_loop3A_135 = arith.select %parallel_loop3A_133, %parallel_loop3A_134, %parallel_loop3A_131 : i32
      %parallel_loop3A_136 = vector.broadcast %parallel_loop3A_135 : i32 to vector<16xi32>
      %parallel_loop3A_137 = arith.remsi %xor3A_14, %parallel_loop3A_136 : vector<16xi32>
      %parallel_loop3A_138 = arith.constant 0 : i32
      %parallel_loop3A_139 = vector.broadcast %parallel_loop3A_138 : i32 to vector<16xi32>
      %parallel_loop3A_140 = arith.cmpi ne, %parallel_loop3A_137, %parallel_loop3A_139 : vector<16xi32>
      %parallel_loop3A_141 = arith.constant 0 : i32
      %parallel_loop3A_142 = vector.broadcast %parallel_loop3A_141 : i32 to vector<16xi32>
      %parallel_loop3A_143 = arith.cmpi slt, %parallel_loop3A_137, %parallel_loop3A_142 : vector<16xi32>
      %parallel_loop3A_144 = arith.constant 0 : i32
      %parallel_loop3A_145 = arith.cmpi slt, %parallel_loop3A_135, %parallel_loop3A_144 : i32
      %parallel_loop3A_146 = vector.broadcast %parallel_loop3A_145 : i1 to vector<16xi1>
      %parallel_loop3A_147 = vector.broadcast %parallel_loop3A_146 : vector<16xi1> to vector<16xi1>
      %parallel_loop3A_148 = arith.xori %parallel_loop3A_143, %parallel_loop3A_147 : vector<16xi1>
      %parallel_loop3A_149 = arith.andi %parallel_loop3A_148, %parallel_loop3A_140 : vector<16xi1>
      %parallel_loop3A_150 = vector.broadcast %parallel_loop3A_135 : i32 to vector<16xi32>
      %parallel_loop3A_151 = arith.addi %parallel_loop3A_137, %parallel_loop3A_150 : vector<16xi32>
      %parallel_loop3A_152 = arith.select %parallel_loop3A_149, %parallel_loop3A_151, %parallel_loop3A_137 : vector<16xi1>, vector<16xi32>
      %parallel_loop3A_153 = vector.shape_cast %parallel_loop3A_152 : vector<16xi32> to vector<16x1xi32>
      %parallel_loop3A_154 = vector.shape_cast %parallel_loop3A_153 : vector<16x1xi32> to vector<16xi32>
      %parallel_loop3A_155 = tpu.dynamic_gather %parallel_loop3A_120[%parallel_loop3A_154] in [0] : vector<16xi32>, vector<16xi32> -> vector<16xi32>
      %parallel_loop3A_156 = arith.constant 16 : i32
      %parallel_loop3A_157 = arith.constant 0 : i32
      %parallel_loop3A_158 = arith.cmpi eq, %parallel_loop3A_156, %parallel_loop3A_157 : i32
      %parallel_loop3A_159 = arith.constant 1 : i32
      %parallel_loop3A_160 = arith.select %parallel_loop3A_158, %parallel_loop3A_159, %parallel_loop3A_156 : i32
      %parallel_loop3A_161 = vector.broadcast %parallel_loop3A_160 : i32 to vector<16xi32>
      %parallel_loop3A_162 = arith.remsi %xor3A_14, %parallel_loop3A_161 : vector<16xi32>
      %parallel_loop3A_163 = arith.constant 0 : i32
      %parallel_loop3A_164 = vector.broadcast %parallel_loop3A_163 : i32 to vector<16xi32>
      %parallel_loop3A_165 = arith.cmpi ne, %parallel_loop3A_162, %parallel_loop3A_164 : vector<16xi32>
      %parallel_loop3A_166 = arith.constant 0 : i32
      %parallel_loop3A_167 = vector.broadcast %parallel_loop3A_166 : i32 to vector<16xi32>
      %parallel_loop3A_168 = arith.cmpi slt, %parallel_loop3A_162, %parallel_loop3A_167 : vector<16xi32>
      %parallel_loop3A_169 = arith.constant 0 : i32
      %parallel_loop3A_170 = arith.cmpi slt, %parallel_loop3A_160, %parallel_loop3A_169 : i32
      %parallel_loop3A_171 = vector.broadcast %parallel_loop3A_170 : i1 to vector<16xi1>
      %parallel_loop3A_172 = vector.broadcast %parallel_loop3A_171 : vector<16xi1> to vector<16xi1>
      %parallel_loop3A_173 = arith.xori %parallel_loop3A_168, %parallel_loop3A_172 : vector<16xi1>
      %parallel_loop3A_174 = arith.andi %parallel_loop3A_173, %parallel_loop3A_165 : vector<16xi1>
      %parallel_loop3A_175 = vector.broadcast %parallel_loop3A_160 : i32 to vector<16xi32>
      %parallel_loop3A_176 = arith.addi %parallel_loop3A_162, %parallel_loop3A_175 : vector<16xi32>
      %parallel_loop3A_177 = arith.select %parallel_loop3A_174, %parallel_loop3A_176, %parallel_loop3A_162 : vector<16xi1>, vector<16xi32>
      %parallel_loop3A_178 = vector.shape_cast %parallel_loop3A_177 : vector<16xi32> to vector<16x1xi32>
      %parallel_loop3A_179 = vector.shape_cast %parallel_loop3A_178 : vector<16x1xi32> to vector<16xi32>
      %parallel_loop3A_180 = tpu.dynamic_gather %parallel_loop3A_116[%parallel_loop3A_179] in [0] : vector<16xf32>, vector<16xi32> -> vector<16xf32>
      %parallel_loop3A_181 = arith.constant 16 : i32
      %parallel_loop3A_182 = arith.constant 0 : i32
      %parallel_loop3A_183 = arith.cmpi eq, %parallel_loop3A_181, %parallel_loop3A_182 : i32
      %parallel_loop3A_184 = arith.constant 1 : i32
      %parallel_loop3A_185 = arith.select %parallel_loop3A_183, %parallel_loop3A_184, %parallel_loop3A_181 : i32
      %parallel_loop3A_186 = vector.broadcast %parallel_loop3A_185 : i32 to vector<16xi32>
      %parallel_loop3A_187 = arith.remsi %xor3A_14, %parallel_loop3A_186 : vector<16xi32>
      %parallel_loop3A_188 = arith.constant 0 : i32
      %parallel_loop3A_189 = vector.broadcast %parallel_loop3A_188 : i32 to vector<16xi32>
      %parallel_loop3A_190 = arith.cmpi ne, %parallel_loop3A_187, %parallel_loop3A_189 : vector<16xi32>
      %parallel_loop3A_191 = arith.constant 0 : i32
      %parallel_loop3A_192 = vector.broadcast %parallel_loop3A_191 : i32 to vector<16xi32>
      %parallel_loop3A_193 = arith.cmpi slt, %parallel_loop3A_187, %parallel_loop3A_192 : vector<16xi32>
      %parallel_loop3A_194 = arith.constant 0 : i32
      %parallel_loop3A_195 = arith.cmpi slt, %parallel_loop3A_185, %parallel_loop3A_194 : i32
      %parallel_loop3A_196 = vector.broadcast %parallel_loop3A_195 : i1 to vector<16xi1>
      %parallel_loop3A_197 = vector.broadcast %parallel_loop3A_196 : vector<16xi1> to vector<16xi1>
      %parallel_loop3A_198 = arith.xori %parallel_loop3A_193, %parallel_loop3A_197 : vector<16xi1>
      %parallel_loop3A_199 = arith.andi %parallel_loop3A_198, %parallel_loop3A_190 : vector<16xi1>
      %parallel_loop3A_200 = vector.broadcast %parallel_loop3A_185 : i32 to vector<16xi32>
      %parallel_loop3A_201 = arith.addi %parallel_loop3A_187, %parallel_loop3A_200 : vector<16xi32>
      %parallel_loop3A_202 = arith.select %parallel_loop3A_199, %parallel_loop3A_201, %parallel_loop3A_187 : vector<16xi1>, vector<16xi32>
      %parallel_loop3A_203 = vector.shape_cast %parallel_loop3A_202 : vector<16xi32> to vector<16x1xi32>
      %parallel_loop3A_204 = vector.shape_cast %parallel_loop3A_203 : vector<16x1xi32> to vector<16xi32>
      %parallel_loop3A_205 = tpu.dynamic_gather %parallel_loop3A_124[%parallel_loop3A_204] in [0] : vector<16xf32>, vector<16xi32> -> vector<16xf32>
      %parallel_loop3A_206 = arith.constant 16 : i32
      %parallel_loop3A_207 = arith.constant 0 : i32
      %parallel_loop3A_208 = arith.cmpi eq, %parallel_loop3A_206, %parallel_loop3A_207 : i32
      %parallel_loop3A_209 = arith.constant 1 : i32
      %parallel_loop3A_210 = arith.select %parallel_loop3A_208, %parallel_loop3A_209, %parallel_loop3A_206 : i32
      %parallel_loop3A_211 = vector.broadcast %parallel_loop3A_210 : i32 to vector<16xi32>
      %parallel_loop3A_212 = arith.remsi %xor3A_14, %parallel_loop3A_211 : vector<16xi32>
      %parallel_loop3A_213 = arith.constant 0 : i32
      %parallel_loop3A_214 = vector.broadcast %parallel_loop3A_213 : i32 to vector<16xi32>
      %parallel_loop3A_215 = arith.cmpi ne, %parallel_loop3A_212, %parallel_loop3A_214 : vector<16xi32>
      %parallel_loop3A_216 = arith.constant 0 : i32
      %parallel_loop3A_217 = vector.broadcast %parallel_loop3A_216 : i32 to vector<16xi32>
      %parallel_loop3A_218 = arith.cmpi slt, %parallel_loop3A_212, %parallel_loop3A_217 : vector<16xi32>
      %parallel_loop3A_219 = arith.constant 0 : i32
      %parallel_loop3A_220 = arith.cmpi slt, %parallel_loop3A_210, %parallel_loop3A_219 : i32
      %parallel_loop3A_221 = vector.broadcast %parallel_loop3A_220 : i1 to vector<16xi1>
      %parallel_loop3A_222 = vector.broadcast %parallel_loop3A_221 : vector<16xi1> to vector<16xi1>
      %parallel_loop3A_223 = arith.xori %parallel_loop3A_218, %parallel_loop3A_222 : vector<16xi1>
      %parallel_loop3A_224 = arith.andi %parallel_loop3A_223, %parallel_loop3A_215 : vector<16xi1>
      %parallel_loop3A_225 = vector.broadcast %parallel_loop3A_210 : i32 to vector<16xi32>
      %parallel_loop3A_226 = arith.addi %parallel_loop3A_212, %parallel_loop3A_225 : vector<16xi32>
      %parallel_loop3A_227 = arith.select %parallel_loop3A_224, %parallel_loop3A_226, %parallel_loop3A_212 : vector<16xi1>, vector<16xi32>
      %parallel_loop3A_228 = vector.shape_cast %parallel_loop3A_227 : vector<16xi32> to vector<16x1xi32>
      %parallel_loop3A_229 = vector.shape_cast %parallel_loop3A_228 : vector<16x1xi32> to vector<16xi32>
      %parallel_loop3A_230 = tpu.dynamic_gather %parallel_loop3A_130[%parallel_loop3A_229] in [0] : vector<16xi32>, vector<16xi32> -> vector<16xi32>
      %parallel_loop3A_231 = arith.cmpi eq, %parallel_loop3A_120, %parallel_loop3A_155 : vector<16xi32>
      %parallel_loop3A_232 = arith.constant 1 : i32
      %parallel_loop3A_233 = vector.broadcast %parallel_loop3A_232 : i32 to vector<16xi32>
      %parallel_loop3A_234 = arith.cmpi eq, %parallel_loop3A_130, %parallel_loop3A_233 : vector<16xi32>
      %parallel_loop3A_235 = arith.andi %parallel_loop3A_231, %parallel_loop3A_234 : vector<16xi1>
      %parallel_loop3A_236 = arith.constant 1 : i32
      %parallel_loop3A_237 = vector.broadcast %parallel_loop3A_236 : i32 to vector<16xi32>
      %parallel_loop3A_238 = arith.cmpi eq, %parallel_loop3A_230, %parallel_loop3A_237 : vector<16xi32>
      %parallel_loop3A_239 = arith.andi %parallel_loop3A_235, %parallel_loop3A_238 : vector<16xi1>
      %parallel_loop3A_240 = arith.constant 0.000000e+00 : f32
      %parallel_loop3A_241 = vector.broadcast %parallel_loop3A_240 : f32 to vector<16xf32>
      %parallel_loop3A_242 = arith.select %parallel_loop3A_239, %parallel_loop3A_180, %parallel_loop3A_241 : vector<16xi1>, vector<16xf32>
      %parallel_loop3A_243 = arith.addf %parallel_loop3A_116, %parallel_loop3A_242 : vector<16xf32>
      %parallel_loop3A_244 = arith.constant 0.000000e+00 : f32
      %parallel_loop3A_245 = vector.broadcast %parallel_loop3A_244 : f32 to vector<16xf32>
      %parallel_loop3A_246 = arith.select %parallel_loop3A_239, %parallel_loop3A_205, %parallel_loop3A_245 : vector<16xi1>, vector<16xf32>
      %parallel_loop3A_247 = arith.addf %parallel_loop3A_124, %parallel_loop3A_246 : vector<16xf32>
      %parallel_loop3A_248 = arith.constant 1 : i32
      %parallel_loop3A_249 = vector.broadcast %parallel_loop3A_248 : i32 to vector<16xi32>
      %parallel_loop3A_250 = arith.andi %iota3A, %parallel_loop3A_249 : vector<16xi32>
      %parallel_loop3A_251 = arith.constant 0 : i32
      %parallel_loop3A_252 = vector.broadcast %parallel_loop3A_251 : i32 to vector<16xi32>
      %parallel_loop3A_253 = arith.cmpi ne, %parallel_loop3A_250, %parallel_loop3A_252 : vector<16xi32>
      %parallel_loop3A_254 = arith.andi %parallel_loop3A_239, %parallel_loop3A_253 : vector<16xi1>
      %parallel_loop3A_255 = arith.constant 0 : i32
      %parallel_loop3A_256 = vector.broadcast %parallel_loop3A_255 : i32 to vector<16xi32>
      %parallel_loop3A_257 = arith.select %parallel_loop3A_254, %parallel_loop3A_256, %parallel_loop3A_130 : vector<16xi1>, vector<16xi32>
      %parallel_loop3A_258 = arith.constant 1 : i32
      %parallel_loop3A_259 = vector.broadcast %parallel_loop3A_258 : i32 to vector<16xi32>
      %parallel_loop3A_260 = arith.cmpi eq, %parallel_loop3A_257, %parallel_loop3A_259 : vector<16xi32>
      tpu.vector_store_idx %arg13[%parallel_loop3A_120], %parallel_loop3A_243 masked %parallel_loop3A_260 {add = true} : memref<16384xf32, #tpu.memory_space<vmem>>[vector<16xi32>], vector<16xf32>, vector<16xi1>
      tpu.vector_store_idx %arg14[%parallel_loop3A_120], %parallel_loop3A_247 masked %parallel_loop3A_260 {add = true} : memref<16384xf32, #tpu.memory_space<vmem>>[vector<16xi32>], vector<16xf32>, vector<16xi1>
    } {sc.loop_unroll_factor = 8 : i64, sc.parallel_access}
    %dma_wait3A_54 = tpu.memref_slice %arg2[%add3A_44] : memref<1048576xf32, #tpu.memory_space<hbm>> -> memref<8192xf32, #tpu.memory_space<hbm>>
    %dma_wait3A_55 = tpu.memref_slice %arg2[%add3A_44] : memref<1048576xf32, #tpu.memory_space<hbm>> -> memref<8192xf32, #tpu.memory_space<hbm>>
    tpu.wait_dma2 semaphore(%arg15 : memref<!tpu.dma_semaphore, #tpu.memory_space<semaphore_mem>>) src(%dma_wait3A_55 : memref<8192xf32, #tpu.memory_space<hbm>>) dst(%arg7 : memref<8192xf32, #tpu.memory_space<vmem>>)
    %dma_wait3A_56 = tpu.memref_slice %arg3[%add3A_44] : memref<1048576xi32, #tpu.memory_space<hbm>> -> memref<8192xi32, #tpu.memory_space<hbm>>
    %dma_wait3A_57 = tpu.memref_slice %arg3[%add3A_44] : memref<1048576xi32, #tpu.memory_space<hbm>> -> memref<8192xi32, #tpu.memory_space<hbm>>
    tpu.wait_dma2 semaphore(%arg15 : memref<!tpu.dma_semaphore, #tpu.memory_space<semaphore_mem>>) src(%dma_wait3A_57 : memref<8192xi32, #tpu.memory_space<hbm>>) dst(%arg8 : memref<8192xi32, #tpu.memory_space<vmem>>)
    %dma_wait3A_58 = tpu.memref_slice %arg4[%add3A_44] : memref<1048576xi32, #tpu.memory_space<hbm>> -> memref<8192xi32, #tpu.memory_space<hbm>>
    %dma_wait3A_59 = tpu.memref_slice %arg4[%add3A_44] : memref<1048576xi32, #tpu.memory_space<hbm>> -> memref<8192xi32, #tpu.memory_space<hbm>>
    tpu.wait_dma2 semaphore(%arg15 : memref<!tpu.dma_semaphore, #tpu.memory_space<semaphore_mem>>) src(%dma_wait3A_59 : memref<8192xi32, #tpu.memory_space<hbm>>) dst(%arg9 : memref<8192xi32, #tpu.memory_space<vmem>>)
    %add3A_60 = arith.constant 24576 : i32
    %add3A_61 = arith.addi %mul3A_2, %add3A_60 : i32
    %dma_start3A_62 = tpu.memref_slice %arg2[%add3A_61] : memref<1048576xf32, #tpu.memory_space<hbm>> -> memref<8192xf32, #tpu.memory_space<hbm>>
    %dma_start3A_63 = tpu.memref_slice %arg2[%add3A_61] : memref<1048576xf32, #tpu.memory_space<hbm>> -> memref<8192xf32, #tpu.memory_space<hbm>>
    tpu.enqueue_dma source(%dma_start3A_63 : memref<8192xf32, #tpu.memory_space<hbm>>) target(%arg10 : memref<8192xf32, #tpu.memory_space<vmem>>) target_semaphore(%arg16 : memref<!tpu.dma_semaphore, #tpu.memory_space<semaphore_mem>>)
    %dma_start3A_64 = tpu.memref_slice %arg3[%add3A_61] : memref<1048576xi32, #tpu.memory_space<hbm>> -> memref<8192xi32, #tpu.memory_space<hbm>>
    %dma_start3A_65 = tpu.memref_slice %arg3[%add3A_61] : memref<1048576xi32, #tpu.memory_space<hbm>> -> memref<8192xi32, #tpu.memory_space<hbm>>
    tpu.enqueue_dma source(%dma_start3A_65 : memref<8192xi32, #tpu.memory_space<hbm>>) target(%arg11 : memref<8192xi32, #tpu.memory_space<vmem>>) target_semaphore(%arg16 : memref<!tpu.dma_semaphore, #tpu.memory_space<semaphore_mem>>)
    %dma_start3A_66 = tpu.memref_slice %arg4[%add3A_61] : memref<1048576xi32, #tpu.memory_space<hbm>> -> memref<8192xi32, #tpu.memory_space<hbm>>
    %dma_start3A_67 = tpu.memref_slice %arg4[%add3A_61] : memref<1048576xi32, #tpu.memory_space<hbm>> -> memref<8192xi32, #tpu.memory_space<hbm>>
    tpu.enqueue_dma source(%dma_start3A_67 : memref<8192xi32, #tpu.memory_space<hbm>>) target(%arg12 : memref<8192xi32, #tpu.memory_space<vmem>>) target_semaphore(%arg16 : memref<!tpu.dma_semaphore, #tpu.memory_space<semaphore_mem>>)
    %parallel_loop3A_68 = arith.constant 0 : i32
    %parallel_loop3A_69 = arith.constant 512 : i32
    %parallel_loop3A_70 = arith.constant 1 : i32
    scf.for %parallel_loop3A_104 = %parallel_loop3A_68 to %parallel_loop3A_69 step %parallel_loop3A_70  : i32 {
      %parallel_loop3A_105 = arith.constant 16 : i32
      %parallel_loop3A_106 = arith.muli %parallel_loop3A_104, %parallel_loop3A_105 : i32
      %parallel_loop3A_107 = arith.index_cast %parallel_loop3A_106 : i32 to index
      %parallel_loop3A_108 = tpu.vector_load %arg9[%parallel_loop3A_107] {strides = array<i32>} : memref<8192xi32, #tpu.memory_space<vmem>>, vector<16xi32>,
      %parallel_loop3A_109 = arith.constant 16 : i32
      %parallel_loop3A_110 = arith.muli %parallel_loop3A_104, %parallel_loop3A_109 : i32
      %parallel_loop3A_111 = arith.index_cast %parallel_loop3A_110 : i32 to index
      %parallel_loop3A_112 = tpu.vector_load %arg8[%parallel_loop3A_111] {strides = array<i32>} : memref<8192xi32, #tpu.memory_space<vmem>>, vector<16xi32>,
      %parallel_loop3A_113 = arith.constant 16 : i32
      %parallel_loop3A_114 = arith.muli %parallel_loop3A_104, %parallel_loop3A_113 : i32
      %parallel_loop3A_115 = arith.index_cast %parallel_loop3A_114 : i32 to index
      %parallel_loop3A_116 = tpu.vector_load %arg7[%parallel_loop3A_115] {strides = array<i32>} : memref<8192xf32, #tpu.memory_space<vmem>>, vector<16xf32>,
      %parallel_loop3A_117 = arith.constant 13 : i32
      %parallel_loop3A_118 = vector.broadcast %parallel_loop3A_117 : i32 to vector<16xi32>
      %parallel_loop3A_119 = arith.shli %parallel_loop3A_112, %parallel_loop3A_118 : vector<16xi32>
      %parallel_loop3A_120 = arith.addi %parallel_loop3A_108, %parallel_loop3A_119 : vector<16xi32>
      %parallel_loop3A_121 = arith.constant 0.000000e+00 : f32
      %parallel_loop3A_122 = vector.broadcast %parallel_loop3A_121 : f32 to vector<16xf32>
      %parallel_loop3A_123 = arith.mulf %parallel_loop3A_122, %parallel_loop3A_116 : vector<16xf32>
      %parallel_loop3A_124 = arith.addf %broadcast_in_dim3A_12, %parallel_loop3A_123 : vector<16xf32>
      %parallel_loop3A_125 = arith.cmpi eq, %parallel_loop3A_120, %parallel_loop3A_120 : vector<16xi32>
      %parallel_loop3A_126 = arith.constant 1 : i32
      %parallel_loop3A_127 = arith.constant 0 : i32
      %parallel_loop3A_128 = vector.broadcast %parallel_loop3A_126 : i32 to vector<16xi32>
      %parallel_loop3A_129 = vector.broadcast %parallel_loop3A_127 : i32 to vector<16xi32>
      %parallel_loop3A_130 = arith.select %parallel_loop3A_125, %parallel_loop3A_128, %parallel_loop3A_129 : vector<16xi1>, vector<16xi32>
      %parallel_loop3A_131 = arith.constant 16 : i32
      %parallel_loop3A_132 = arith.constant 0 : i32
      %parallel_loop3A_133 = arith.cmpi eq, %parallel_loop3A_131, %parallel_loop3A_132 : i32
      %parallel_loop3A_134 = arith.constant 1 : i32
      %parallel_loop3A_135 = arith.select %parallel_loop3A_133, %parallel_loop3A_134, %parallel_loop3A_131 : i32
      %parallel_loop3A_136 = vector.broadcast %parallel_loop3A_135 : i32 to vector<16xi32>
      %parallel_loop3A_137 = arith.remsi %xor3A_14, %parallel_loop3A_136 : vector<16xi32>
      %parallel_loop3A_138 = arith.constant 0 : i32
      %parallel_loop3A_139 = vector.broadcast %parallel_loop3A_138 : i32 to vector<16xi32>
      %parallel_loop3A_140 = arith.cmpi ne, %parallel_loop3A_137, %parallel_loop3A_139 : vector<16xi32>
      %parallel_loop3A_141 = arith.constant 0 : i32
      %parallel_loop3A_142 = vector.broadcast %parallel_loop3A_141 : i32 to vector<16xi32>
      %parallel_loop3A_143 = arith.cmpi slt, %parallel_loop3A_137, %parallel_loop3A_142 : vector<16xi32>
      %parallel_loop3A_144 = arith.constant 0 : i32
      %parallel_loop3A_145 = arith.cmpi slt, %parallel_loop3A_135, %parallel_loop3A_144 : i32
      %parallel_loop3A_146 = vector.broadcast %parallel_loop3A_145 : i1 to vector<16xi1>
      %parallel_loop3A_147 = vector.broadcast %parallel_loop3A_146 : vector<16xi1> to vector<16xi1>
      %parallel_loop3A_148 = arith.xori %parallel_loop3A_143, %parallel_loop3A_147 : vector<16xi1>
      %parallel_loop3A_149 = arith.andi %parallel_loop3A_148, %parallel_loop3A_140 : vector<16xi1>
      %parallel_loop3A_150 = vector.broadcast %parallel_loop3A_135 : i32 to vector<16xi32>
      %parallel_loop3A_151 = arith.addi %parallel_loop3A_137, %parallel_loop3A_150 : vector<16xi32>
      %parallel_loop3A_152 = arith.select %parallel_loop3A_149, %parallel_loop3A_151, %parallel_loop3A_137 : vector<16xi1>, vector<16xi32>
      %parallel_loop3A_153 = vector.shape_cast %parallel_loop3A_152 : vector<16xi32> to vector<16x1xi32>
      %parallel_loop3A_154 = vector.shape_cast %parallel_loop3A_153 : vector<16x1xi32> to vector<16xi32>
      %parallel_loop3A_155 = tpu.dynamic_gather %parallel_loop3A_120[%parallel_loop3A_154] in [0] : vector<16xi32>, vector<16xi32> -> vector<16xi32>
      %parallel_loop3A_156 = arith.constant 16 : i32
      %parallel_loop3A_157 = arith.constant 0 : i32
      %parallel_loop3A_158 = arith.cmpi eq, %parallel_loop3A_156, %parallel_loop3A_157 : i32
      %parallel_loop3A_159 = arith.constant 1 : i32
      %parallel_loop3A_160 = arith.select %parallel_loop3A_158, %parallel_loop3A_159, %parallel_loop3A_156 : i32
      %parallel_loop3A_161 = vector.broadcast %parallel_loop3A_160 : i32 to vector<16xi32>
      %parallel_loop3A_162 = arith.remsi %xor3A_14, %parallel_loop3A_161 : vector<16xi32>
      %parallel_loop3A_163 = arith.constant 0 : i32
      %parallel_loop3A_164 = vector.broadcast %parallel_loop3A_163 : i32 to vector<16xi32>
      %parallel_loop3A_165 = arith.cmpi ne, %parallel_loop3A_162, %parallel_loop3A_164 : vector<16xi32>
      %parallel_loop3A_166 = arith.constant 0 : i32
      %parallel_loop3A_167 = vector.broadcast %parallel_loop3A_166 : i32 to vector<16xi32>
      %parallel_loop3A_168 = arith.cmpi slt, %parallel_loop3A_162, %parallel_loop3A_167 : vector<16xi32>
      %parallel_loop3A_169 = arith.constant 0 : i32
      %parallel_loop3A_170 = arith.cmpi slt, %parallel_loop3A_160, %parallel_loop3A_169 : i32
      %parallel_loop3A_171 = vector.broadcast %parallel_loop3A_170 : i1 to vector<16xi1>
      %parallel_loop3A_172 = vector.broadcast %parallel_loop3A_171 : vector<16xi1> to vector<16xi1>
      %parallel_loop3A_173 = arith.xori %parallel_loop3A_168, %parallel_loop3A_172 : vector<16xi1>
      %parallel_loop3A_174 = arith.andi %parallel_loop3A_173, %parallel_loop3A_165 : vector<16xi1>
      %parallel_loop3A_175 = vector.broadcast %parallel_loop3A_160 : i32 to vector<16xi32>
      %parallel_loop3A_176 = arith.addi %parallel_loop3A_162, %parallel_loop3A_175 : vector<16xi32>
      %parallel_loop3A_177 = arith.select %parallel_loop3A_174, %parallel_loop3A_176, %parallel_loop3A_162 : vector<16xi1>, vector<16xi32>
      %parallel_loop3A_178 = vector.shape_cast %parallel_loop3A_177 : vector<16xi32> to vector<16x1xi32>
      %parallel_loop3A_179 = vector.shape_cast %parallel_loop3A_178 : vector<16x1xi32> to vector<16xi32>
      %parallel_loop3A_180 = tpu.dynamic_gather %parallel_loop3A_116[%parallel_loop3A_179] in [0] : vector<16xf32>, vector<16xi32> -> vector<16xf32>
      %parallel_loop3A_181 = arith.constant 16 : i32
      %parallel_loop3A_182 = arith.constant 0 : i32
      %parallel_loop3A_183 = arith.cmpi eq, %parallel_loop3A_181, %parallel_loop3A_182 : i32
      %parallel_loop3A_184 = arith.constant 1 : i32
      %parallel_loop3A_185 = arith.select %parallel_loop3A_183, %parallel_loop3A_184, %parallel_loop3A_181 : i32
      %parallel_loop3A_186 = vector.broadcast %parallel_loop3A_185 : i32 to vector<16xi32>
      %parallel_loop3A_187 = arith.remsi %xor3A_14, %parallel_loop3A_186 : vector<16xi32>
      %parallel_loop3A_188 = arith.constant 0 : i32
      %parallel_loop3A_189 = vector.broadcast %parallel_loop3A_188 : i32 to vector<16xi32>
      %parallel_loop3A_190 = arith.cmpi ne, %parallel_loop3A_187, %parallel_loop3A_189 : vector<16xi32>
      %parallel_loop3A_191 = arith.constant 0 : i32
      %parallel_loop3A_192 = vector.broadcast %parallel_loop3A_191 : i32 to vector<16xi32>
      %parallel_loop3A_193 = arith.cmpi slt, %parallel_loop3A_187, %parallel_loop3A_192 : vector<16xi32>
      %parallel_loop3A_194 = arith.constant 0 : i32
      %parallel_loop3A_195 = arith.cmpi slt, %parallel_loop3A_185, %parallel_loop3A_194 : i32
      %parallel_loop3A_196 = vector.broadcast %parallel_loop3A_195 : i1 to vector<16xi1>
      %parallel_loop3A_197 = vector.broadcast %parallel_loop3A_196 : vector<16xi1> to vector<16xi1>
      %parallel_loop3A_198 = arith.xori %parallel_loop3A_193, %parallel_loop3A_197 : vector<16xi1>
      %parallel_loop3A_199 = arith.andi %parallel_loop3A_198, %parallel_loop3A_190 : vector<16xi1>
      %parallel_loop3A_200 = vector.broadcast %parallel_loop3A_185 : i32 to vector<16xi32>
      %parallel_loop3A_201 = arith.addi %parallel_loop3A_187, %parallel_loop3A_200 : vector<16xi32>
      %parallel_loop3A_202 = arith.select %parallel_loop3A_199, %parallel_loop3A_201, %parallel_loop3A_187 : vector<16xi1>, vector<16xi32>
      %parallel_loop3A_203 = vector.shape_cast %parallel_loop3A_202 : vector<16xi32> to vector<16x1xi32>
      %parallel_loop3A_204 = vector.shape_cast %parallel_loop3A_203 : vector<16x1xi32> to vector<16xi32>
      %parallel_loop3A_205 = tpu.dynamic_gather %parallel_loop3A_124[%parallel_loop3A_204] in [0] : vector<16xf32>, vector<16xi32> -> vector<16xf32>
      %parallel_loop3A_206 = arith.constant 16 : i32
      %parallel_loop3A_207 = arith.constant 0 : i32
      %parallel_loop3A_208 = arith.cmpi eq, %parallel_loop3A_206, %parallel_loop3A_207 : i32
      %parallel_loop3A_209 = arith.constant 1 : i32
      %parallel_loop3A_210 = arith.select %parallel_loop3A_208, %parallel_loop3A_209, %parallel_loop3A_206 : i32
      %parallel_loop3A_211 = vector.broadcast %parallel_loop3A_210 : i32 to vector<16xi32>
      %parallel_loop3A_212 = arith.remsi %xor3A_14, %parallel_loop3A_211 : vector<16xi32>
      %parallel_loop3A_213 = arith.constant 0 : i32
      %parallel_loop3A_214 = vector.broadcast %parallel_loop3A_213 : i32 to vector<16xi32>
      %parallel_loop3A_215 = arith.cmpi ne, %parallel_loop3A_212, %parallel_loop3A_214 : vector<16xi32>
      %parallel_loop3A_216 = arith.constant 0 : i32
      %parallel_loop3A_217 = vector.broadcast %parallel_loop3A_216 : i32 to vector<16xi32>
      %parallel_loop3A_218 = arith.cmpi slt, %parallel_loop3A_212, %parallel_loop3A_217 : vector<16xi32>
      %parallel_loop3A_219 = arith.constant 0 : i32
      %parallel_loop3A_220 = arith.cmpi slt, %parallel_loop3A_210, %parallel_loop3A_219 : i32
      %parallel_loop3A_221 = vector.broadcast %parallel_loop3A_220 : i1 to vector<16xi1>
      %parallel_loop3A_222 = vector.broadcast %parallel_loop3A_221 : vector<16xi1> to vector<16xi1>
      %parallel_loop3A_223 = arith.xori %parallel_loop3A_218, %parallel_loop3A_222 : vector<16xi1>
      %parallel_loop3A_224 = arith.andi %parallel_loop3A_223, %parallel_loop3A_215 : vector<16xi1>
      %parallel_loop3A_225 = vector.broadcast %parallel_loop3A_210 : i32 to vector<16xi32>
      %parallel_loop3A_226 = arith.addi %parallel_loop3A_212, %parallel_loop3A_225 : vector<16xi32>
      %parallel_loop3A_227 = arith.select %parallel_loop3A_224, %parallel_loop3A_226, %parallel_loop3A_212 : vector<16xi1>, vector<16xi32>
      %parallel_loop3A_228 = vector.shape_cast %parallel_loop3A_227 : vector<16xi32> to vector<16x1xi32>
      %parallel_loop3A_229 = vector.shape_cast %parallel_loop3A_228 : vector<16x1xi32> to vector<16xi32>
      %parallel_loop3A_230 = tpu.dynamic_gather %parallel_loop3A_130[%parallel_loop3A_229] in [0] : vector<16xi32>, vector<16xi32> -> vector<16xi32>
      %parallel_loop3A_231 = arith.cmpi eq, %parallel_loop3A_120, %parallel_loop3A_155 : vector<16xi32>
      %parallel_loop3A_232 = arith.constant 1 : i32
      %parallel_loop3A_233 = vector.broadcast %parallel_loop3A_232 : i32 to vector<16xi32>
      %parallel_loop3A_234 = arith.cmpi eq, %parallel_loop3A_130, %parallel_loop3A_233 : vector<16xi32>
      %parallel_loop3A_235 = arith.andi %parallel_loop3A_231, %parallel_loop3A_234 : vector<16xi1>
      %parallel_loop3A_236 = arith.constant 1 : i32
      %parallel_loop3A_237 = vector.broadcast %parallel_loop3A_236 : i32 to vector<16xi32>
      %parallel_loop3A_238 = arith.cmpi eq, %parallel_loop3A_230, %parallel_loop3A_237 : vector<16xi32>
      %parallel_loop3A_239 = arith.andi %parallel_loop3A_235, %parallel_loop3A_238 : vector<16xi1>
      %parallel_loop3A_240 = arith.constant 0.000000e+00 : f32
      %parallel_loop3A_241 = vector.broadcast %parallel_loop3A_240 : f32 to vector<16xf32>
      %parallel_loop3A_242 = arith.select %parallel_loop3A_239, %parallel_loop3A_180, %parallel_loop3A_241 : vector<16xi1>, vector<16xf32>
      %parallel_loop3A_243 = arith.addf %parallel_loop3A_116, %parallel_loop3A_242 : vector<16xf32>
      %parallel_loop3A_244 = arith.constant 0.000000e+00 : f32
      %parallel_loop3A_245 = vector.broadcast %parallel_loop3A_244 : f32 to vector<16xf32>
      %parallel_loop3A_246 = arith.select %parallel_loop3A_239, %parallel_loop3A_205, %parallel_loop3A_245 : vector<16xi1>, vector<16xf32>
      %parallel_loop3A_247 = arith.addf %parallel_loop3A_124, %parallel_loop3A_246 : vector<16xf32>
      %parallel_loop3A_248 = arith.constant 1 : i32
      %parallel_loop3A_249 = vector.broadcast %parallel_loop3A_248 : i32 to vector<16xi32>
      %parallel_loop3A_250 = arith.andi %iota3A, %parallel_loop3A_249 : vector<16xi32>
      %parallel_loop3A_251 = arith.constant 0 : i32
      %parallel_loop3A_252 = vector.broadcast %parallel_loop3A_251 : i32 to vector<16xi32>
      %parallel_loop3A_253 = arith.cmpi ne, %parallel_loop3A_250, %parallel_loop3A_252 : vector<16xi32>
      %parallel_loop3A_254 = arith.andi %parallel_loop3A_239, %parallel_loop3A_253 : vector<16xi1>
      %parallel_loop3A_255 = arith.constant 0 : i32
      %parallel_loop3A_256 = vector.broadcast %parallel_loop3A_255 : i32 to vector<16xi32>
      %parallel_loop3A_257 = arith.select %parallel_loop3A_254, %parallel_loop3A_256, %parallel_loop3A_130 : vector<16xi1>, vector<16xi32>
      %parallel_loop3A_258 = arith.constant 1 : i32
      %parallel_loop3A_259 = vector.broadcast %parallel_loop3A_258 : i32 to vector<16xi32>
      %parallel_loop3A_260 = arith.cmpi eq, %parallel_loop3A_257, %parallel_loop3A_259 : vector<16xi32>
      tpu.vector_store_idx %arg13[%parallel_loop3A_120], %parallel_loop3A_243 masked %parallel_loop3A_260 {add = true} : memref<16384xf32, #tpu.memory_space<vmem>>[vector<16xi32>], vector<16xf32>, vector<16xi1>
      tpu.vector_store_idx %arg14[%parallel_loop3A_120], %parallel_loop3A_247 masked %parallel_loop3A_260 {add = true} : memref<16384xf32, #tpu.memory_space<vmem>>[vector<16xi32>], vector<16xf32>, vector<16xi1>
    } {sc.loop_unroll_factor = 8 : i64, sc.parallel_access}
    %dma_wait3A_71 = tpu.memref_slice %arg2[%add3A_61] : memref<1048576xf32, #tpu.memory_space<hbm>> -> memref<8192xf32, #tpu.memory_space<hbm>>
    %dma_wait3A_72 = tpu.memref_slice %arg2[%add3A_61] : memref<1048576xf32, #tpu.memory_space<hbm>> -> memref<8192xf32, #tpu.memory_space<hbm>>
    tpu.wait_dma2 semaphore(%arg16 : memref<!tpu.dma_semaphore, #tpu.memory_space<semaphore_mem>>) src(%dma_wait3A_72 : memref<8192xf32, #tpu.memory_space<hbm>>) dst(%arg10 : memref<8192xf32, #tpu.memory_space<vmem>>)
    %dma_wait3A_73 = tpu.memref_slice %arg3[%add3A_61] : memref<1048576xi32, #tpu.memory_space<hbm>> -> memref<8192xi32, #tpu.memory_space<hbm>>
    %dma_wait3A_74 = tpu.memref_slice %arg3[%add3A_61] : memref<1048576xi32, #tpu.memory_space<hbm>> -> memref<8192xi32, #tpu.memory_space<hbm>>
    tpu.wait_dma2 semaphore(%arg16 : memref<!tpu.dma_semaphore, #tpu.memory_space<semaphore_mem>>) src(%dma_wait3A_74 : memref<8192xi32, #tpu.memory_space<hbm>>) dst(%arg11 : memref<8192xi32, #tpu.memory_space<vmem>>)
    %dma_wait3A_75 = tpu.memref_slice %arg4[%add3A_61] : memref<1048576xi32, #tpu.memory_space<hbm>> -> memref<8192xi32, #tpu.memory_space<hbm>>
    %dma_wait3A_76 = tpu.memref_slice %arg4[%add3A_61] : memref<1048576xi32, #tpu.memory_space<hbm>> -> memref<8192xi32, #tpu.memory_space<hbm>>
    tpu.wait_dma2 semaphore(%arg16 : memref<!tpu.dma_semaphore, #tpu.memory_space<semaphore_mem>>) src(%dma_wait3A_76 : memref<8192xi32, #tpu.memory_space<hbm>>) dst(%arg12 : memref<8192xi32, #tpu.memory_space<vmem>>)
    %parallel_loop3A_77 = arith.constant 0 : i32
    %parallel_loop3A_78 = arith.constant 512 : i32
    %parallel_loop3A_79 = arith.constant 1 : i32
    scf.for %parallel_loop3A_104 = %parallel_loop3A_77 to %parallel_loop3A_78 step %parallel_loop3A_79  : i32 {
      %parallel_loop3A_105 = arith.constant 16 : i32
      %parallel_loop3A_106 = arith.muli %parallel_loop3A_104, %parallel_loop3A_105 : i32
      %parallel_loop3A_107 = arith.index_cast %parallel_loop3A_106 : i32 to index
      %parallel_loop3A_108 = tpu.vector_load %arg12[%parallel_loop3A_107] {strides = array<i32>} : memref<8192xi32, #tpu.memory_space<vmem>>, vector<16xi32>,
      %parallel_loop3A_109 = arith.constant 16 : i32
      %parallel_loop3A_110 = arith.muli %parallel_loop3A_104, %parallel_loop3A_109 : i32
      %parallel_loop3A_111 = arith.index_cast %parallel_loop3A_110 : i32 to index
      %parallel_loop3A_112 = tpu.vector_load %arg11[%parallel_loop3A_111] {strides = array<i32>} : memref<8192xi32, #tpu.memory_space<vmem>>, vector<16xi32>,
      %parallel_loop3A_113 = arith.constant 16 : i32
      %parallel_loop3A_114 = arith.muli %parallel_loop3A_104, %parallel_loop3A_113 : i32
      %parallel_loop3A_115 = arith.index_cast %parallel_loop3A_114 : i32 to index
      %parallel_loop3A_116 = tpu.vector_load %arg10[%parallel_loop3A_115] {strides = array<i32>} : memref<8192xf32, #tpu.memory_space<vmem>>, vector<16xf32>,
      %parallel_loop3A_117 = arith.constant 13 : i32
      %parallel_loop3A_118 = vector.broadcast %parallel_loop3A_117 : i32 to vector<16xi32>
      %parallel_loop3A_119 = arith.shli %parallel_loop3A_112, %parallel_loop3A_118 : vector<16xi32>
      %parallel_loop3A_120 = arith.addi %parallel_loop3A_108, %parallel_loop3A_119 : vector<16xi32>
      %parallel_loop3A_121 = arith.constant 0.000000e+00 : f32
      %parallel_loop3A_122 = vector.broadcast %parallel_loop3A_121 : f32 to vector<16xf32>
      %parallel_loop3A_123 = arith.mulf %parallel_loop3A_122, %parallel_loop3A_116 : vector<16xf32>
      %parallel_loop3A_124 = arith.addf %broadcast_in_dim3A_12, %parallel_loop3A_123 : vector<16xf32>
      %parallel_loop3A_125 = arith.cmpi eq, %parallel_loop3A_120, %parallel_loop3A_120 : vector<16xi32>
      %parallel_loop3A_126 = arith.constant 1 : i32
      %parallel_loop3A_127 = arith.constant 0 : i32
      %parallel_loop3A_128 = vector.broadcast %parallel_loop3A_126 : i32 to vector<16xi32>
      %parallel_loop3A_129 = vector.broadcast %parallel_loop3A_127 : i32 to vector<16xi32>
      %parallel_loop3A_130 = arith.select %parallel_loop3A_125, %parallel_loop3A_128, %parallel_loop3A_129 : vector<16xi1>, vector<16xi32>
      %parallel_loop3A_131 = arith.constant 16 : i32
      %parallel_loop3A_132 = arith.constant 0 : i32
      %parallel_loop3A_133 = arith.cmpi eq, %parallel_loop3A_131, %parallel_loop3A_132 : i32
      %parallel_loop3A_134 = arith.constant 1 : i32
      %parallel_loop3A_135 = arith.select %parallel_loop3A_133, %parallel_loop3A_134, %parallel_loop3A_131 : i32
      %parallel_loop3A_136 = vector.broadcast %parallel_loop3A_135 : i32 to vector<16xi32>
      %parallel_loop3A_137 = arith.remsi %xor3A_14, %parallel_loop3A_136 : vector<16xi32>
      %parallel_loop3A_138 = arith.constant 0 : i32
      %parallel_loop3A_139 = vector.broadcast %parallel_loop3A_138 : i32 to vector<16xi32>
      %parallel_loop3A_140 = arith.cmpi ne, %parallel_loop3A_137, %parallel_loop3A_139 : vector<16xi32>
      %parallel_loop3A_141 = arith.constant 0 : i32
      %parallel_loop3A_142 = vector.broadcast %parallel_loop3A_141 : i32 to vector<16xi32>
      %parallel_loop3A_143 = arith.cmpi slt, %parallel_loop3A_137, %parallel_loop3A_142 : vector<16xi32>
      %parallel_loop3A_144 = arith.constant 0 : i32
      %parallel_loop3A_145 = arith.cmpi slt, %parallel_loop3A_135, %parallel_loop3A_144 : i32
      %parallel_loop3A_146 = vector.broadcast %parallel_loop3A_145 : i1 to vector<16xi1>
      %parallel_loop3A_147 = vector.broadcast %parallel_loop3A_146 : vector<16xi1> to vector<16xi1>
      %parallel_loop3A_148 = arith.xori %parallel_loop3A_143, %parallel_loop3A_147 : vector<16xi1>
      %parallel_loop3A_149 = arith.andi %parallel_loop3A_148, %parallel_loop3A_140 : vector<16xi1>
      %parallel_loop3A_150 = vector.broadcast %parallel_loop3A_135 : i32 to vector<16xi32>
      %parallel_loop3A_151 = arith.addi %parallel_loop3A_137, %parallel_loop3A_150 : vector<16xi32>
      %parallel_loop3A_152 = arith.select %parallel_loop3A_149, %parallel_loop3A_151, %parallel_loop3A_137 : vector<16xi1>, vector<16xi32>
      %parallel_loop3A_153 = vector.shape_cast %parallel_loop3A_152 : vector<16xi32> to vector<16x1xi32>
      %parallel_loop3A_154 = vector.shape_cast %parallel_loop3A_153 : vector<16x1xi32> to vector<16xi32>
      %parallel_loop3A_155 = tpu.dynamic_gather %parallel_loop3A_120[%parallel_loop3A_154] in [0] : vector<16xi32>, vector<16xi32> -> vector<16xi32>
      %parallel_loop3A_156 = arith.constant 16 : i32
      %parallel_loop3A_157 = arith.constant 0 : i32
      %parallel_loop3A_158 = arith.cmpi eq, %parallel_loop3A_156, %parallel_loop3A_157 : i32
      %parallel_loop3A_159 = arith.constant 1 : i32
      %parallel_loop3A_160 = arith.select %parallel_loop3A_158, %parallel_loop3A_159, %parallel_loop3A_156 : i32
      %parallel_loop3A_161 = vector.broadcast %parallel_loop3A_160 : i32 to vector<16xi32>
      %parallel_loop3A_162 = arith.remsi %xor3A_14, %parallel_loop3A_161 : vector<16xi32>
      %parallel_loop3A_163 = arith.constant 0 : i32
      %parallel_loop3A_164 = vector.broadcast %parallel_loop3A_163 : i32 to vector<16xi32>
      %parallel_loop3A_165 = arith.cmpi ne, %parallel_loop3A_162, %parallel_loop3A_164 : vector<16xi32>
      %parallel_loop3A_166 = arith.constant 0 : i32
      %parallel_loop3A_167 = vector.broadcast %parallel_loop3A_166 : i32 to vector<16xi32>
      %parallel_loop3A_168 = arith.cmpi slt, %parallel_loop3A_162, %parallel_loop3A_167 : vector<16xi32>
      %parallel_loop3A_169 = arith.constant 0 : i32
      %parallel_loop3A_170 = arith.cmpi slt, %parallel_loop3A_160, %parallel_loop3A_169 : i32
      %parallel_loop3A_171 = vector.broadcast %parallel_loop3A_170 : i1 to vector<16xi1>
      %parallel_loop3A_172 = vector.broadcast %parallel_loop3A_171 : vector<16xi1> to vector<16xi1>
      %parallel_loop3A_173 = arith.xori %parallel_loop3A_168, %parallel_loop3A_172 : vector<16xi1>
      %parallel_loop3A_174 = arith.andi %parallel_loop3A_173, %parallel_loop3A_165 : vector<16xi1>
      %parallel_loop3A_175 = vector.broadcast %parallel_loop3A_160 : i32 to vector<16xi32>
      %parallel_loop3A_176 = arith.addi %parallel_loop3A_162, %parallel_loop3A_175 : vector<16xi32>
      %parallel_loop3A_177 = arith.select %parallel_loop3A_174, %parallel_loop3A_176, %parallel_loop3A_162 : vector<16xi1>, vector<16xi32>
      %parallel_loop3A_178 = vector.shape_cast %parallel_loop3A_177 : vector<16xi32> to vector<16x1xi32>
      %parallel_loop3A_179 = vector.shape_cast %parallel_loop3A_178 : vector<16x1xi32> to vector<16xi32>
      %parallel_loop3A_180 = tpu.dynamic_gather %parallel_loop3A_116[%parallel_loop3A_179] in [0] : vector<16xf32>, vector<16xi32> -> vector<16xf32>
      %parallel_loop3A_181 = arith.constant 16 : i32
      %parallel_loop3A_182 = arith.constant 0 : i32
      %parallel_loop3A_183 = arith.cmpi eq, %parallel_loop3A_181, %parallel_loop3A_182 : i32
      %parallel_loop3A_184 = arith.constant 1 : i32
      %parallel_loop3A_185 = arith.select %parallel_loop3A_183, %parallel_loop3A_184, %parallel_loop3A_181 : i32
      %parallel_loop3A_186 = vector.broadcast %parallel_loop3A_185 : i32 to vector<16xi32>
      %parallel_loop3A_187 = arith.remsi %xor3A_14, %parallel_loop3A_186 : vector<16xi32>
      %parallel_loop3A_188 = arith.constant 0 : i32
      %parallel_loop3A_189 = vector.broadcast %parallel_loop3A_188 : i32 to vector<16xi32>
      %parallel_loop3A_190 = arith.cmpi ne, %parallel_loop3A_187, %parallel_loop3A_189 : vector<16xi32>
      %parallel_loop3A_191 = arith.constant 0 : i32
      %parallel_loop3A_192 = vector.broadcast %parallel_loop3A_191 : i32 to vector<16xi32>
      %parallel_loop3A_193 = arith.cmpi slt, %parallel_loop3A_187, %parallel_loop3A_192 : vector<16xi32>
      %parallel_loop3A_194 = arith.constant 0 : i32
      %parallel_loop3A_195 = arith.cmpi slt, %parallel_loop3A_185, %parallel_loop3A_194 : i32
      %parallel_loop3A_196 = vector.broadcast %parallel_loop3A_195 : i1 to vector<16xi1>
      %parallel_loop3A_197 = vector.broadcast %parallel_loop3A_196 : vector<16xi1> to vector<16xi1>
      %parallel_loop3A_198 = arith.xori %parallel_loop3A_193, %parallel_loop3A_197 : vector<16xi1>
      %parallel_loop3A_199 = arith.andi %parallel_loop3A_198, %parallel_loop3A_190 : vector<16xi1>
      %parallel_loop3A_200 = vector.broadcast %parallel_loop3A_185 : i32 to vector<16xi32>
      %parallel_loop3A_201 = arith.addi %parallel_loop3A_187, %parallel_loop3A_200 : vector<16xi32>
      %parallel_loop3A_202 = arith.select %parallel_loop3A_199, %parallel_loop3A_201, %parallel_loop3A_187 : vector<16xi1>, vector<16xi32>
      %parallel_loop3A_203 = vector.shape_cast %parallel_loop3A_202 : vector<16xi32> to vector<16x1xi32>
      %parallel_loop3A_204 = vector.shape_cast %parallel_loop3A_203 : vector<16x1xi32> to vector<16xi32>
      %parallel_loop3A_205 = tpu.dynamic_gather %parallel_loop3A_124[%parallel_loop3A_204] in [0] : vector<16xf32>, vector<16xi32> -> vector<16xf32>
      %parallel_loop3A_206 = arith.constant 16 : i32
      %parallel_loop3A_207 = arith.constant 0 : i32
      %parallel_loop3A_208 = arith.cmpi eq, %parallel_loop3A_206, %parallel_loop3A_207 : i32
      %parallel_loop3A_209 = arith.constant 1 : i32
      %parallel_loop3A_210 = arith.select %parallel_loop3A_208, %parallel_loop3A_209, %parallel_loop3A_206 : i32
      %parallel_loop3A_211 = vector.broadcast %parallel_loop3A_210 : i32 to vector<16xi32>
      %parallel_loop3A_212 = arith.remsi %xor3A_14, %parallel_loop3A_211 : vector<16xi32>
      %parallel_loop3A_213 = arith.constant 0 : i32
      %parallel_loop3A_214 = vector.broadcast %parallel_loop3A_213 : i32 to vector<16xi32>
      %parallel_loop3A_215 = arith.cmpi ne, %parallel_loop3A_212, %parallel_loop3A_214 : vector<16xi32>
      %parallel_loop3A_216 = arith.constant 0 : i32
      %parallel_loop3A_217 = vector.broadcast %parallel_loop3A_216 : i32 to vector<16xi32>
      %parallel_loop3A_218 = arith.cmpi slt, %parallel_loop3A_212, %parallel_loop3A_217 : vector<16xi32>
      %parallel_loop3A_219 = arith.constant 0 : i32
      %parallel_loop3A_220 = arith.cmpi slt, %parallel_loop3A_210, %parallel_loop3A_219 : i32
      %parallel_loop3A_221 = vector.broadcast %parallel_loop3A_220 : i1 to vector<16xi1>
      %parallel_loop3A_222 = vector.broadcast %parallel_loop3A_221 : vector<16xi1> to vector<16xi1>
      %parallel_loop3A_223 = arith.xori %parallel_loop3A_218, %parallel_loop3A_222 : vector<16xi1>
      %parallel_loop3A_224 = arith.andi %parallel_loop3A_223, %parallel_loop3A_215 : vector<16xi1>
      %parallel_loop3A_225 = vector.broadcast %parallel_loop3A_210 : i32 to vector<16xi32>
      %parallel_loop3A_226 = arith.addi %parallel_loop3A_212, %parallel_loop3A_225 : vector<16xi32>
      %parallel_loop3A_227 = arith.select %parallel_loop3A_224, %parallel_loop3A_226, %parallel_loop3A_212 : vector<16xi1>, vector<16xi32>
      %parallel_loop3A_228 = vector.shape_cast %parallel_loop3A_227 : vector<16xi32> to vector<16x1xi32>
      %parallel_loop3A_229 = vector.shape_cast %parallel_loop3A_228 : vector<16x1xi32> to vector<16xi32>
      %parallel_loop3A_230 = tpu.dynamic_gather %parallel_loop3A_130[%parallel_loop3A_229] in [0] : vector<16xi32>, vector<16xi32> -> vector<16xi32>
      %parallel_loop3A_231 = arith.cmpi eq, %parallel_loop3A_120, %parallel_loop3A_155 : vector<16xi32>
      %parallel_loop3A_232 = arith.constant 1 : i32
      %parallel_loop3A_233 = vector.broadcast %parallel_loop3A_232 : i32 to vector<16xi32>
      %parallel_loop3A_234 = arith.cmpi eq, %parallel_loop3A_130, %parallel_loop3A_233 : vector<16xi32>
      %parallel_loop3A_235 = arith.andi %parallel_loop3A_231, %parallel_loop3A_234 : vector<16xi1>
      %parallel_loop3A_236 = arith.constant 1 : i32
      %parallel_loop3A_237 = vector.broadcast %parallel_loop3A_236 : i32 to vector<16xi32>
      %parallel_loop3A_238 = arith.cmpi eq, %parallel_loop3A_230, %parallel_loop3A_237 : vector<16xi32>
      %parallel_loop3A_239 = arith.andi %parallel_loop3A_235, %parallel_loop3A_238 : vector<16xi1>
      %parallel_loop3A_240 = arith.constant 0.000000e+00 : f32
      %parallel_loop3A_241 = vector.broadcast %parallel_loop3A_240 : f32 to vector<16xf32>
      %parallel_loop3A_242 = arith.select %parallel_loop3A_239, %parallel_loop3A_180, %parallel_loop3A_241 : vector<16xi1>, vector<16xf32>
      %parallel_loop3A_243 = arith.addf %parallel_loop3A_116, %parallel_loop3A_242 : vector<16xf32>
      %parallel_loop3A_244 = arith.constant 0.000000e+00 : f32
      %parallel_loop3A_245 = vector.broadcast %parallel_loop3A_244 : f32 to vector<16xf32>
      %parallel_loop3A_246 = arith.select %parallel_loop3A_239, %parallel_loop3A_205, %parallel_loop3A_245 : vector<16xi1>, vector<16xf32>
      %parallel_loop3A_247 = arith.addf %parallel_loop3A_124, %parallel_loop3A_246 : vector<16xf32>
      %parallel_loop3A_248 = arith.constant 1 : i32
      %parallel_loop3A_249 = vector.broadcast %parallel_loop3A_248 : i32 to vector<16xi32>
      %parallel_loop3A_250 = arith.andi %iota3A, %parallel_loop3A_249 : vector<16xi32>
      %parallel_loop3A_251 = arith.constant 0 : i32
      %parallel_loop3A_252 = vector.broadcast %parallel_loop3A_251 : i32 to vector<16xi32>
      %parallel_loop3A_253 = arith.cmpi ne, %parallel_loop3A_250, %parallel_loop3A_252 : vector<16xi32>
      %parallel_loop3A_254 = arith.andi %parallel_loop3A_239, %parallel_loop3A_253 : vector<16xi1>
      %parallel_loop3A_255 = arith.constant 0 : i32
      %parallel_loop3A_256 = vector.broadcast %parallel_loop3A_255 : i32 to vector<16xi32>
      %parallel_loop3A_257 = arith.select %parallel_loop3A_254, %parallel_loop3A_256, %parallel_loop3A_130 : vector<16xi1>, vector<16xi32>
      %parallel_loop3A_258 = arith.constant 1 : i32
      %parallel_loop3A_259 = vector.broadcast %parallel_loop3A_258 : i32 to vector<16xi32>
      %parallel_loop3A_260 = arith.cmpi eq, %parallel_loop3A_257, %parallel_loop3A_259 : vector<16xi32>
      tpu.vector_store_idx %arg13[%parallel_loop3A_120], %parallel_loop3A_243 masked %parallel_loop3A_260 {add = true} : memref<16384xf32, #tpu.memory_space<vmem>>[vector<16xi32>], vector<16xf32>, vector<16xi1>
      tpu.vector_store_idx %arg14[%parallel_loop3A_120], %parallel_loop3A_247 masked %parallel_loop3A_260 {add = true} : memref<16384xf32, #tpu.memory_space<vmem>>[vector<16xi32>], vector<16xf32>, vector<16xi1>
    } {sc.loop_unroll_factor = 8 : i64, sc.parallel_access}
    %dma_start3A_80 = arith.constant 0 : i32
    %dma_start3A_81 = tpu.memref_slice %arg5[%arg0, %arg1, %dma_start3A_80] : memref<2x16x16384xf32, #tpu.memory_space<hbm>> -> memref<1x1x16384xf32, #tpu.memory_space<hbm>>
    %dma_start3A_82 = tpu.memref_squeeze %dma_start3A_81 : memref<1x1x16384xf32, #tpu.memory_space<hbm>> -> memref<16384xf32, #tpu.memory_space<hbm>>
    %dma_start3A_83 = arith.constant 0 : i32
    %dma_start3A_84 = tpu.memref_slice %arg5[%arg0, %arg1, %dma_start3A_83] : memref<2x16x16384xf32, #tpu.memory_space<hbm>> -> memref<1x1x16384xf32, #tpu.memory_space<hbm>>
    %dma_start3A_85 = tpu.memref_squeeze %dma_start3A_84 : memref<1x1x16384xf32, #tpu.memory_space<hbm>> -> memref<16384xf32, #tpu.memory_space<hbm>>
    tpu.enqueue_dma source(%arg13 : memref<16384xf32, #tpu.memory_space<vmem>>) target(%dma_start3A_85 : memref<16384xf32, #tpu.memory_space<hbm>>) target_semaphore(%arg17 : memref<!tpu.dma_semaphore, #tpu.memory_space<semaphore_mem>>)
    %dma_start3A_86 = arith.constant 0 : i32
    %dma_start3A_87 = tpu.memref_slice %arg6[%arg0, %arg1, %dma_start3A_86] : memref<2x16x16384xf32, #tpu.memory_space<hbm>> -> memref<1x1x16384xf32, #tpu.memory_space<hbm>>
    %dma_start3A_88 = tpu.memref_squeeze %dma_start3A_87 : memref<1x1x16384xf32, #tpu.memory_space<hbm>> -> memref<16384xf32, #tpu.memory_space<hbm>>
    %dma_start3A_89 = arith.constant 0 : i32
    %dma_start3A_90 = tpu.memref_slice %arg6[%arg0, %arg1, %dma_start3A_89] : memref<2x16x16384xf32, #tpu.memory_space<hbm>> -> memref<1x1x16384xf32, #tpu.memory_space<hbm>>
    %dma_start3A_91 = tpu.memref_squeeze %dma_start3A_90 : memref<1x1x16384xf32, #tpu.memory_space<hbm>> -> memref<16384xf32, #tpu.memory_space<hbm>>
    tpu.enqueue_dma source(%arg14 : memref<16384xf32, #tpu.memory_space<vmem>>) target(%dma_start3A_91 : memref<16384xf32, #tpu.memory_space<hbm>>) target_semaphore(%arg17 : memref<!tpu.dma_semaphore, #tpu.memory_space<semaphore_mem>>)
    %dma_wait3A_92 = arith.constant 0 : i32
    %dma_wait3A_93 = tpu.memref_slice %arg5[%arg0, %arg1, %dma_wait3A_92] : memref<2x16x16384xf32, #tpu.memory_space<hbm>> -> memref<1x1x16384xf32, #tpu.memory_space<hbm>>
    %dma_wait3A_94 = tpu.memref_squeeze %dma_wait3A_93 : memref<1x1x16384xf32, #tpu.memory_space<hbm>> -> memref<16384xf32, #tpu.memory_space<hbm>>
    %dma_wait3A_95 = arith.constant 0 : i32
    %dma_wait3A_96 = tpu.memref_slice %arg5[%arg0, %arg1, %dma_wait3A_95] : memref<2x16x16384xf32, #tpu.memory_space<hbm>> -> memref<1x1x16384xf32, #tpu.memory_space<hbm>>
    %dma_wait3A_97 = tpu.memref_squeeze %dma_wait3A_96 : memref<1x1x16384xf32, #tpu.memory_space<hbm>> -> memref<16384xf32, #tpu.memory_space<hbm>>
    tpu.wait_dma2 semaphore(%arg17 : memref<!tpu.dma_semaphore, #tpu.memory_space<semaphore_mem>>) src(%arg13 : memref<16384xf32, #tpu.memory_space<vmem>>) dst(%dma_wait3A_97 : memref<16384xf32, #tpu.memory_space<hbm>>)
    %dma_wait3A_98 = arith.constant 0 : i32
    %dma_wait3A_99 = tpu.memref_slice %arg6[%arg0, %arg1, %dma_wait3A_98] : memref<2x16x16384xf32, #tpu.memory_space<hbm>> -> memref<1x1x16384xf32, #tpu.memory_space<hbm>>
    %dma_wait3A_100 = tpu.memref_squeeze %dma_wait3A_99 : memref<1x1x16384xf32, #tpu.memory_space<hbm>> -> memref<16384xf32, #tpu.memory_space<hbm>>
    %dma_wait3A_101 = arith.constant 0 : i32
    %dma_wait3A_102 = tpu.memref_slice %arg6[%arg0, %arg1, %dma_wait3A_101] : memref<2x16x16384xf32, #tpu.memory_space<hbm>> -> memref<1x1x16384xf32, #tpu.memory_space<hbm>>
    %dma_wait3A_103 = tpu.memref_squeeze %dma_wait3A_102 : memref<1x1x16384xf32, #tpu.memory_space<hbm>> -> memref<16384xf32, #tpu.memory_space<hbm>>
    tpu.wait_dma2 semaphore(%arg17 : memref<!tpu.dma_semaphore, #tpu.memory_space<semaphore_mem>>) src(%arg14 : memref<16384xf32, #tpu.memory_space<vmem>>) dst(%dma_wait3A_103 : memref<16384xf32, #tpu.memory_space<hbm>>)
    return
  }
}

module attributes {stable_mosaic.version = 14 : i64} {
  func.func @_tc_body(%arg0: i32, %arg1: memref<128x1024xf32, #tpu.memory_space<vmem>>, %arg2: memref<128x1024xi32, #tpu.memory_space<vmem>>, %arg3: memref<32x16384xf32, #tpu.memory_space<vmem>>, %arg4: memref<32x16384xf32, #tpu.memory_space<vmem>>, %arg5: memref<1x1xf32, #tpu.memory_space<smem>>, %arg6: memref<1x1xf32, #tpu.memory_space<smem>>) attributes {dimension_semantics = [#tpu.dimension_semantics<arbitrary>], iteration_bounds = array<i64: 8>, scalar_prefetch = 0 : i64, scratch_operands = 1 : i64, tpu.core_type = #tpu.core_type<tc>, window_params = [{transform_indices = @transform_0, window_bounds = array<i64: 128, 1024>}, {transform_indices = @transform_1, window_bounds = array<i64: 128, 1024>}, {pipeline_mode = #tpu.pipeline_mode<synchronous>, transform_indices = @transform_2, window_bounds = array<i64: 32, 16384>}, {pipeline_mode = #tpu.pipeline_mode<synchronous>, transform_indices = @transform_3, window_bounds = array<i64: 32, 16384>}, {transform_indices = @transform_4, window_bounds = array<i64: 1, 1>}]} {
    %eq3A = arith.constant 0 : i32
    %eq3A_0 = arith.cmpi eq, %arg0, %eq3A : i32
    %convert_element_type3A = arith.extui %eq3A_0 : i1 to i32
    %cond3A = arith.constant 0 : i32
    %cond3A_1 = arith.cmpi ne, %convert_element_type3A, %cond3A : i32
    scf.if %cond3A_1 {
      %swap3A_28 = arith.constant 0.000000e+00 : f32
      %swap3A_29 = arith.constant 0 : index
      %swap3A_30 = arith.constant 0 : index
      %swap3A_31 = memref.load %arg6[%swap3A_29, %swap3A_30] : memref<1x1xf32, #tpu.memory_space<smem>>
      memref.store %swap3A_28, %arg6[%swap3A_29, %swap3A_30] : memref<1x1xf32, #tpu.memory_space<smem>>
    } else {
    }
    %get3A = arith.constant 0 : index
    %get3A_2 = arith.constant 0 : index
    %get3A_3 = vector.load %arg1[%get3A, %get3A_2] : memref<128x1024xf32, #tpu.memory_space<vmem>>, vector<128x1024xf32>
    %get3A_4 = arith.constant 0 : index
    %get3A_5 = arith.constant 0 : index
    %get3A_6 = vector.load %arg2[%get3A_4, %get3A_5] : memref<128x1024xi32, #tpu.memory_space<vmem>>, vector<128x1024xi32>
    %eq3A_7 = arith.constant 1 : i32
    %eq3A_8 = vector.broadcast %eq3A_7 : i32 to vector<128x1024xi32>
    %eq3A_9 = arith.cmpi eq, %get3A_6, %eq3A_8 : vector<128x1024xi32>
    %sub3A = arith.constant 1.000000e+00 : f32
    %sub3A_10 = vector.broadcast %sub3A : f32 to vector<128x1024xf32>
    %sub3A_11 = arith.subf %sub3A_10, %get3A_3 : vector<128x1024xf32>
    %select_n3A = arith.select %eq3A_9, %get3A_3, %sub3A_11 : vector<128x1024xi1>, vector<128x1024xf32>
    %get3A_12 = arith.constant 0 : index
    %get3A_13 = arith.constant 0 : index
    %get3A_14 = memref.load %arg6[%get3A_12, %get3A_13] : memref<1x1xf32, #tpu.memory_space<smem>>
    %log3A = math.log %select_n3A : vector<128x1024xf32>
    %max3A = arith.constant -1.000000e+02 : f32
    %max3A_15 = vector.broadcast %max3A : f32 to vector<128x1024xf32>
    %max3A_16 = arith.maximumf %log3A, %max3A_15 : vector<128x1024xf32>
    %reduce_sum3A = vector.shape_cast %max3A_16 : vector<128x1024xf32> to vector<1x128x1024xf32>
    %reduce_sum3A_17 = arith.constant dense<0.000000e+00> : vector<1xf32>
    %reduce_sum3A_18 = vector.multi_reduction <add>, %reduce_sum3A, %reduce_sum3A_17 [1, 2] : vector<1x128x1024xf32> to vector<1xf32>
    %reduce_sum3A_19 = vector.shape_cast %reduce_sum3A_18 : vector<1xf32> to vector<1x1x1xf32>
    %reduce_sum3A_20 = vector.extract %reduce_sum3A_19[0, 0, 0] : f32 from vector<1x1x1xf32>
    %add3A = arith.addf %get3A_14, %reduce_sum3A_20 : f32
    %swap3A = arith.constant 0 : index
    %swap3A_21 = arith.constant 0 : index
    %swap3A_22 = memref.load %arg6[%swap3A, %swap3A_21] : memref<1x1xf32, #tpu.memory_space<smem>>
    memref.store %add3A, %arg6[%swap3A, %swap3A_21] : memref<1x1xf32, #tpu.memory_space<smem>>
    %eq3A_23 = arith.constant 7 : i32
    %eq3A_24 = arith.cmpi eq, %arg0, %eq3A_23 : i32
    %convert_element_type3A_25 = arith.extui %eq3A_24 : i1 to i32
    %cond3A_26 = arith.constant 0 : i32
    %cond3A_27 = arith.cmpi ne, %convert_element_type3A_25, %cond3A_26 : i32
    scf.if %cond3A_27 {
      %get3A_28 = arith.constant 0 : index
      %get3A_29 = arith.constant 0 : index
      %get3A_30 = vector.load %arg3[%get3A_28, %get3A_29] : memref<32x16384xf32, #tpu.memory_space<vmem>>, vector<32x16384xf32>
      %reduce_sum3A_31 = arith.constant dense<0.000000e+00> : vector<16384xf32>
      %reduce_sum3A_32 = vector.multi_reduction <add>, %get3A_30, %reduce_sum3A_31 [0] : vector<32x16384xf32> to vector<16384xf32>
      %broadcast_in_dim3A = vector.shape_cast %reduce_sum3A_32 : vector<16384xf32> to vector<1x16384xf32>
      %get3A_33 = arith.constant 0 : index
      %get3A_34 = arith.constant 0 : index
      %get3A_35 = vector.load %arg4[%get3A_33, %get3A_34] : memref<32x16384xf32, #tpu.memory_space<vmem>>, vector<32x16384xf32>
      %reduce_sum3A_36 = arith.constant dense<0.000000e+00> : vector<16384xf32>
      %reduce_sum3A_37 = vector.multi_reduction <add>, %get3A_35, %reduce_sum3A_36 [0] : vector<32x16384xf32> to vector<16384xf32>
      %broadcast_in_dim3A_38 = vector.shape_cast %reduce_sum3A_37 : vector<16384xf32> to vector<1x16384xf32>
      %slice3A = vector.extract_strided_slice %broadcast_in_dim3A {offsets = [0, 0], sizes = [1, 8192], strides = [1, 1]} : vector<1x16384xf32> to vector<1x8192xf32>
      %slice3A_39 = vector.extract_strided_slice %broadcast_in_dim3A {offsets = [0, 8192], sizes = [1, 8192], strides = [1, 1]} : vector<1x16384xf32> to vector<1x8192xf32>
      %slice3A_40 = vector.extract_strided_slice %broadcast_in_dim3A_38 {offsets = [0, 0], sizes = [1, 8192], strides = [1, 1]} : vector<1x16384xf32> to vector<1x8192xf32>
      %slice3A_41 = vector.extract_strided_slice %broadcast_in_dim3A_38 {offsets = [0, 8192], sizes = [1, 8192], strides = [1, 1]} : vector<1x16384xf32> to vector<1x8192xf32>
      %gt3A = arith.constant 0.000000e+00 : f32
      %gt3A_42 = vector.broadcast %gt3A : f32 to vector<1x8192xf32>
      %gt3A_43 = arith.cmpf ogt, %slice3A_41, %gt3A_42 : vector<1x8192xf32>
      %gt3A_44 = arith.constant 0.000000e+00 : f32
      %gt3A_45 = vector.broadcast %gt3A_44 : f32 to vector<1x8192xf32>
      %gt3A_46 = arith.cmpf ogt, %slice3A_40, %gt3A_45 : vector<1x8192xf32>
      %and3A = arith.andi %gt3A_43, %gt3A_46 : vector<1x8192xi1>
      %max3A_47 = arith.constant 1.000000e+00 : f32
      %max3A_48 = vector.broadcast %max3A_47 : f32 to vector<1x8192xf32>
      %max3A_49 = arith.maximumf %slice3A_41, %max3A_48 : vector<1x8192xf32>
      %div3A = arith.divf %slice3A_39, %max3A_49 : vector<1x8192xf32>
      %max3A_50 = arith.constant 1.000000e+00 : f32
      %max3A_51 = vector.broadcast %max3A_50 : f32 to vector<1x8192xf32>
      %max3A_52 = arith.maximumf %slice3A_40, %max3A_51 : vector<1x8192xf32>
      %div3A_53 = arith.divf %slice3A, %max3A_52 : vector<1x8192xf32>
      %sub3A_54 = arith.subf %div3A, %div3A_53 : vector<1x8192xf32>
      %sub3A_55 = arith.constant 2.000000e-01 : f32
      %sub3A_56 = vector.broadcast %sub3A_55 : f32 to vector<1x8192xf32>
      %sub3A_57 = arith.subf %sub3A_56, %sub3A_54 : vector<1x8192xf32>
      %max3A_58 = arith.constant 0.000000e+00 : f32
      %max3A_59 = vector.broadcast %max3A_58 : f32 to vector<1x8192xf32>
      %max3A_60 = arith.maximumf %sub3A_57, %max3A_59 : vector<1x8192xf32>
      %jit3A = arith.constant 0.000000e+00 : f32
      %broadcast_in_dim3A_61 = vector.broadcast %jit3A : f32 to vector<1x8192xf32>
      %select_n3A_62 = arith.select %and3A, %max3A_60, %broadcast_in_dim3A_61 : vector<1x8192xi1>, vector<1x8192xf32>
      %convert_element_type3A_63 = arith.extui %and3A : vector<1x8192xi1> to vector<1x8192xi32>
      %convert_element_type3A_64 = arith.sitofp %convert_element_type3A_63 : vector<1x8192xi32> to vector<1x8192xf32>
      %reduce_sum3A_65 = vector.shape_cast %convert_element_type3A_64 : vector<1x8192xf32> to vector<1x1x8192xf32>
      %reduce_sum3A_66 = arith.constant dense<0.000000e+00> : vector<1xf32>
      %reduce_sum3A_67 = vector.multi_reduction <add>, %reduce_sum3A_65, %reduce_sum3A_66 [1, 2] : vector<1x1x8192xf32> to vector<1xf32>
      %reduce_sum3A_68 = vector.shape_cast %reduce_sum3A_67 : vector<1xf32> to vector<1x1x1xf32>
      %reduce_sum3A_69 = vector.extract %reduce_sum3A_68[0, 0, 0] : f32 from vector<1x1x1xf32>
      %gt3A_70 = arith.constant 0.000000e+00 : f32
      %gt3A_71 = arith.cmpf ogt, %reduce_sum3A_69, %gt3A_70 : f32
      %reduce_sum3A_72 = vector.shape_cast %select_n3A_62 : vector<1x8192xf32> to vector<1x1x8192xf32>
      %reduce_sum3A_73 = arith.constant dense<0.000000e+00> : vector<1xf32>
      %reduce_sum3A_74 = vector.multi_reduction <add>, %reduce_sum3A_72, %reduce_sum3A_73 [1, 2] : vector<1x1x8192xf32> to vector<1xf32>
      %reduce_sum3A_75 = vector.shape_cast %reduce_sum3A_74 : vector<1xf32> to vector<1x1x1xf32>
      %reduce_sum3A_76 = vector.extract %reduce_sum3A_75[0, 0, 0] : f32 from vector<1x1x1xf32>
      %max3A_77 = arith.constant 1.000000e+00 : f32
      %max3A_78 = arith.maximumf %reduce_sum3A_69, %max3A_77 : f32
      %div3A_79 = arith.divf %reduce_sum3A_76, %max3A_78 : f32
      %jit3A_80 = arith.constant 0.000000e+00 : f32
      %select_n3A_81 = arith.select %gt3A_71, %div3A_79, %jit3A_80 : f32
      %get3A_82 = arith.constant 0 : index
      %get3A_83 = arith.constant 0 : index
      %get3A_84 = memref.load %arg6[%get3A_82, %get3A_83] : memref<1x1xf32, #tpu.memory_space<smem>>
      %neg3A = arith.constant 0.000000e+00 : f32
      %neg3A_85 = arith.subf %neg3A, %get3A_84 : f32
      %div3A_86 = arith.constant 0x49800000 : f32
      %div3A_87 = arith.divf %neg3A_85, %div3A_86 : f32
      %mul3A = arith.constant 5.000000e-01 : f32
      %mul3A_88 = arith.mulf %mul3A, %select_n3A_81 : f32
      %add3A_89 = arith.addf %div3A_87, %mul3A_88 : f32
      %swap3A_90 = arith.constant 0 : index
      %swap3A_91 = arith.constant 0 : index
      %swap3A_92 = memref.load %arg5[%swap3A_90, %swap3A_91] : memref<1x1xf32, #tpu.memory_space<smem>>
      memref.store %add3A_89, %arg5[%swap3A_90, %swap3A_91] : memref<1x1xf32, #tpu.memory_space<smem>>
    } else {
    }
    return
  }
  func.func @transform_0(%arg0: i32) -> (i32, i32) {
    %c0_i32 = arith.constant 0 : i32
    %c0_i32_0 = arith.constant 0 : i32
    return %arg0, %c0_i32 : i32, i32
  }
  func.func @transform_1(%arg0: i32) -> (i32, i32) {
    %c0_i32 = arith.constant 0 : i32
    %c0_i32_0 = arith.constant 0 : i32
    return %arg0, %c0_i32 : i32, i32
  }
  func.func @transform_2(%arg0: i32) -> (i32, i32) {
    %c0_i32 = arith.constant 0 : i32
    %c0_i32_0 = arith.constant 0 : i32
    %c0_i32_1 = arith.constant 0 : i32
    return %c0_i32, %c0_i32_0 : i32, i32
  }
  func.func @transform_3(%arg0: i32) -> (i32, i32) {
    %c0_i32 = arith.constant 0 : i32
    %c0_i32_0 = arith.constant 0 : i32
    %c0_i32_1 = arith.constant 0 : i32
    return %c0_i32, %c0_i32_0 : i32, i32
  }
  func.func @transform_4(%arg0: i32) -> (i32, i32) {
    %c0_i32 = arith.constant 0 : i32
    %c0_i32_0 = arith.constant 0 : i32
    %c0_i32_1 = arith.constant 0 : i32
    return %c0_i32, %c0_i32_0 : i32, i32
  }
}

</mosaic_0001>

<sc_bundles>
// kernel: kernel.4.cloned.1.call-start
scs
__scs_entry_jumppad:
0x0: {  	(pc) =	sbr.rel $0x88, $3  }
0x1: {  	(tag) =	ssettag $0x0;
	lr =	simm.s32 $0x1  }
0x2: {  	[smem:$0x3F9E] =	sst lr;
	_ =	strace $0xD0000000  }
0x3: {  	_ = 	snop  }
0x4: {  	_ = 	snop  }
0x5: {  	_ = 	snop  }
0x6: {  	_ = 	snop  }
0x7: {  	_ = 	snop  }
__scs_overlays_trampoline_lowered:
0x8: {  	[smem:$0x3FAD] =	sst s0  }
0x9: {  	[smem:$0x3FAE] =	sst s1  }
0xa: {  	[smem:$0x3FAF] =	sst s2  }
0xb: {  	[smem:$0x3FB0] =	sst s3  }
0xc: {  	[smem:$0x3FB1] =	sst s4  }
0xd: {  	[smem:$0x3FB2] =	sst s5  }
0xe: {  	[smem:$0x3FB3] =	sst s6  }
0xf: {  	[smem:$0x3FB4] =	sst s7  }
0x10: {  	[smem:$0x3FB5] =	sst s8  }
0x11: {  	[smem:$0x3FB6] =	sst s9;
	s0 =	simm.s32 @!p0 $0x0  }
0x12: {  	s1 =	sld [smem:$0x3F9C];
	s0 =	simm.s32 @p0 $0x1  }
0x13: {  	[smem:$0x3FB7] =	sst s0;
	s0 =	simm.s32 @!p1 $0x0  }
0x14: {  	s2 =	sld [smem:$0x3F9B];
	s0 =	simm.s32 @p1 $0x1  }
0x15: {  	[smem:$0x3FB8] =	sst s0;
	s0 =	simm.s32 @!p2 $0x0  }
0x16: {  	s3 =	sld [smem:$0x3FDB];
	s0 =	simm.s32 @p2 $0x1  }
0x17: {  	s4 =	simm.s32 $0x1BF5;
	[smem:$0x3FBA] =	sst s0  }
0x18: {  	s0 =	sld [smem:$0x3F9D];
	_ =	swait.ge [sflag:s4], $0x0  }
0x19: {  	s7 =	sld [smem:$0x3F9E]  }
0x1a: {  	s8 =	sadd.s32 $0xFFFFE003, lr  }
0x1b: {  	s9 =	sadd.s32 $0xFFFFFEF7, lr;
	s5 =	simm.s32 $0xFFFFFFFF;
	p2 =	slt.u32 s8, $0xFFFFF086  }
0x1c: {  	p1 =	slt.u32 s9, $0xF7A;
	s5 =	simm.s32 @!p2 $0x0  }
0x1d: {  	s5 =	simm.s32 @p1 $0x1;
	p0 =	seq.s32 s7, s2  }
0x1e: {  	s7 =	smul.u32 @!p0 $0xF7A, s2;
	p2 =	seq.s32 @!p0 s5, $0x0  }
0x1f: {  	s9 =	smul.u32 $0xF7A, s1;
	s8 =	simm.s32 @!p0 $0x1BF5;
	p2 =	por !p2, p0  }
0x20: {  	[sflag:s8] =	ssyncset.s32 @!p0 $0xFFFFF086;
	s6 =	sadd.s32 @!p0 s3, s7;
	s7 =	simm.s32 @!p0 $0x108  }
0x21: {  	s3 =	sadd.s32 s3, s9;
	s6 =	sadd.s32 @!p0 $0x88, s6;
	s7 =	simm.s32 @p2 $0x1082  }
0x22: {  	[simem:s7], [sflag:s8] =	dma.local @!p0 [hbm:s6], $0xF7A  }
0x23: {  	s9 =	sor.u32 $0xD0000000, s2;
	s6 =	simm.s32 $0x108;
	_ =	swait.ge @!p0 [sflag:s8], $0x0  }
0x24: {  	s3 =	sadd.s32 $0x88, s3;
	s6 =	simm.s32 @!p1 $0x1082;
	[sflag:s4] =	ssyncset.s32 $0xFFFFF086  }
0x25: {  	[simem:s6], [sflag:s4] =	dma.local [hbm:s3], $0xF7A  }
0x26: {  	[smem:$0x3F9E] =	sst s1;
	(tag) =	ssettag s2;
	_ =	strace s9  }
0x27: {  	s1 =	sld [smem:$0x3FAE]  }
0x28: {  	s2 =	sld [smem:$0x3FAF]  }
0x29: {  	s4 =	sld [smem:$0x3FB1]  }
0x2a: {  	p0 =	seq.s32 s5, $0x0;
	s5 =	sld [smem:$0x3FB2]  }
0x2b: {  	s6 =	sld [smem:$0x3FB3]  }
0x2c: {  	s7 =	sld [smem:$0x3FB4]  }
0x2d: {  	s3 =	simm.s32 $0x108;
	s8 =	sld [smem:$0x3FB5]  }
0x2e: {  	s3 =	simm.s32 @!p0 $0x1082;
	s9 =	sld [smem:$0x3FB6]  }
0x2f: {  	lr =	sadd.s32 s0, s3;
	s0 =	sld [smem:$0x3FAD]  }
0x30: {  	s3 =	sld [smem:$0x3FB0]  }
0x31: {  	[smem:$0x3FB9] =	sst s10  }
0x32: {  	s10 =	sld [smem:$0x3FB7];
	_ =	sdelay $0x3  }
0x33: {  	p0 =	seq.s32 s10, $0x1;
	s10 =	sld [smem:$0x3FB9];
	_ =	sdelay $0x3  }
0x34: {  	[smem:$0x3FB9] =	sst s10  }
0x35: {  	s10 =	sld [smem:$0x3FB8];
	_ =	sdelay $0x3  }
0x36: {  	p1 =	seq.s32 s10, $0x1;
	s10 =	sld [smem:$0x3FB9];
	_ =	sdelay $0x3  }
0x37: {  	[smem:$0x3FB9] =	sst s10  }
0x38: {  	s10 =	sld [smem:$0x3FBA]  }
0x39: {  	_ = 	snop;
	(pc) =	sbr.ind lr, $3  }
0x3a: {  	_ = 	snop  }
0x3b: {  	_ = 	snop  }
0x3c: {  	p2 =	seq.s32 s10, $0x1;
	s10 =	sld [smem:$0x3FB9]  }
0x3d: {  	_ =	shalt  }
0x3e: {  	_ =	shalt  }
0x3f: {  	_ =	shalt  }
0x40: {  	_ =	shalt  }
0x41: {  	_ =	shalt  }
0x42: {  	_ =	shalt  }
0x43: {  	_ =	shalt  }
0x44: {  	_ =	shalt  }
0x45: {  	_ =	shalt  }
0x46: {  	_ =	shalt  }
0x47: {  	_ =	shalt  }
0x48: {  	_ =	shalt  }
0x49: {  	_ =	shalt  }
0x4a: {  	_ =	shalt  }
0x4b: {  	_ =	shalt  }
0x4c: {  	_ =	shalt  }
0x4d: {  	_ =	shalt  }
0x4e: {  	_ =	shalt  }
0x4f: {  	_ =	shalt  }
0x50: {  	_ =	shalt  }
0x51: {  	_ =	shalt  }
0x52: {  	_ =	shalt  }
0x53: {  	_ =	shalt  }
0x54: {  	_ =	shalt  }
0x55: {  	_ =	shalt  }
0x56: {  	_ =	shalt  }
0x57: {  	_ =	shalt  }
0x58: {  	_ =	shalt  }
0x59: {  	_ =	shalt  }
0x5a: {  	_ =	shalt  }
0x5b: {  	_ =	shalt  }
0x5c: {  	_ =	shalt  }
0x5d: {  	_ =	shalt  }
0x5e: {  	_ =	shalt  }
0x5f: {  	_ =	shalt  }
0x60: {  	_ =	shalt  }
0x61: {  	_ =	shalt  }
0x62: {  	_ =	shalt  }
0x63: {  	_ =	shalt  }
0x64: {  	_ =	shalt  }
0x65: {  	_ =	shalt  }
0x66: {  	_ =	shalt  }
0x67: {  	_ =	shalt  }
0x68: {  	_ =	shalt  }
0x69: {  	_ =	shalt  }
0x6a: {  	_ =	shalt  }
0x6b: {  	_ =	shalt  }
0x6c: {  	_ =	shalt  }
0x6d: {  	_ =	shalt  }
0x6e: {  	_ =	shalt  }
0x6f: {  	_ =	shalt  }
0x70: {  	_ =	shalt  }
0x71: {  	_ =	shalt  }
0x72: {  	_ =	shalt  }
0x73: {  	_ =	shalt  }
0x74: {  	_ =	shalt  }
0x75: {  	_ =	shalt  }
0x76: {  	_ =	shalt  }
0x77: {  	_ =	shalt  }
0x78: {  	_ =	shalt  }
0x79: {  	_ =	shalt  }
0x7a: {  	_ =	shalt  }
0x7b: {  	_ =	shalt  }
0x7c: {  	_ =	shalt  }
0x7d: {  	_ =	shalt  }
0x7e: {  	_ =	shalt  }
0x7f: {  	_ =	shalt  }
0x80: {  	_ =	shalt  }
0x81: {  	_ =	shalt  }
0x82: {  	_ =	shalt  }
0x83: {  	_ =	shalt  }
0x84: {  	_ =	shalt  }
0x85: {  	_ =	shalt  }
0x86: {  	_ =	shalt  }
0x87: {  	_ =	shalt  }
.Lfunc_end0:
.L_simem_size_0:
called_computation_lowered:
.L_overlay_start_0:
0x88: {  	s2 =	sld [smem:$0x3FD9]  }
0x89: {  	s3 =	sld [smem:$0x3FFE];
	_ =	sdelay $0x1  }
0x8a: {  	s1 =	srdreg.scid  }
0x8b: {  	s0 =	sand.u32 $0x1, s1  }
0x8c: {  	s17 =	sshll.u32 s0, $0xA;
	s2 =	sadd.s32 s3, s2  }
0x8d: {  	s2 =	sadd.s32 s2, s17  }
0x8e: {  	[smem:$0x3FC5] =	sst s2  }
0x8f: {  	_ = 	snop  }
0x90: {  	s2 =	sld [smem:$0x3FC9]  }
0x91: {  	s18 =	sld [smem:$0x3FC8]  }
0x92: {  	s4 =	sld [smem:$0x3FC7];
	(tm) =	ssettm $0x1  }
0x93: {  	s5 =	sld [smem:$0x3FFB];
	_ =	sdelay $0x3  }
0x94: {  	_ =	strace s5  }
0x95: {  	s5 =	sld [smem:$0x3FFC];
	_ =	sdelay $0x3  }
0x96: {  	_ =	strace s5  }
0x97: {  	s5 =	sld [smem:$0x3FFD];
	_ =	sdelay $0x3  }
0x98: {  	_ =	strace s5  }
0x99: {  	_ =	strace $0x8FFFFFFF  }
0x9a: {  	s19 =	sld [smem:$0x3FDB];
	_ =	sdelay $0x1  }
0x9b: {  	s6 =	simm.s32 $_scs_section_size  }
0x9c: {  	s7 =	simm.s32 $_size__tile_overlayer_lowered;
	s8 =	simm.s32 $_tile_overlayer_lowered  }
0x9d: {  	s22 =	simm.s32 $0x1BFF;
	s21 =	sshll.u32 s8, $0x1;
	s5 =	sadd.s32 s6, s19  }
0x9e: {  	s9 =	simm.s32 $0x0;
	s20 =	sshll.u32 s7, $0x1;
	s7 =	sadd.s32 s21, s5  }
0x9f: {  	[timem:s9], [sflag:s22] =	dma.local [hbm:s7], s20  }
0xa0: {  	_ =	swait.ge [sflag:s22], s20  }
0xa1: {  	s6 =	ssub.s32 $0x0, s20;
	[sflag:s22] =	ssyncset.done $0x0  }
0xa2: {  	[sflag:s22] =	ssyncadd.s32 s6;
	_ =	sdelay $0x1  }
0xa3: {  	s23 =	simm.s32 $0x1B8B  }
0xa4: {  	_ =	swait.ge [sflag:s23], $0x1  }
0xa5: {  	[sflag:s23] =	ssyncset.done $0x0  }
0xa6: {  	s25 =	simm.s32 $0x1B8E;
	s24 =	sld [smem:$0x3FFE];
	[sflag:s23] =	ssyncadd.s32 $0xFFFFFFFF  }
0xa7: {  	s26 =	simm.s32 $execute0_lowered;
	[smem:$0x3FD2] =	sst s25  }
0xa8: {  	s7 =	sshll.u32 s26, $0x1;
	_ =	strace $0x80000046;
	[dreg:$0x1] =	wrdreg $0xFFFFFFFF  }
0xa9: {  	s28 =	simm.s32 $_size_execute0_lowered;
	s5 =	sadd.s32 s5, s7;
	[dreg:$0x0] =	wrdreg $0x0  }
0xaa: {  	s7 =	sshll.u32 s28, $0x1;
	[dreg:$0x2] =	wrdreg s5  }
0xab: {  	[dreg:$0x3] =	wrdreg s7  }
0xac: {  	[dreg:$0x4] =	wrdreg $0xC0  }
0xad: {  	_ =	task [dreg:s9], $0x5FFFF  }
0xae: {  	[dreg:$0x1] =	wrdreg $0xFFFFFFFF  }
0xaf: {  	[dreg:$0x0] =	wrdreg $0x60  }
0xb0: {  	[dreg:$0x2] =	wrdreg s2  }
0xb1: {  	[dreg:$0x3] =	wrdreg s18  }
0xb2: {  	[dreg:$0x4] =	wrdreg s4  }
0xb3: {  	[dreg:$0x5] =	wrdreg s24  }
0xb4: {  	[dreg:$0x6] =	wrdreg $0x9  }
0xb5: {  	_ =	task.clear_ibuf [dreg:s9], $0x7FFFF;
	_ =	strace $0x90000046  }
0xb6: {  	s29 =	simm.s32 $0x9;
	_ =	strace $0x80000048  }
0xb7: {  	_ =	swait.ge [sflag:s29], $0x1  }
0xb8: {  	[sflag:s29] =	ssyncadd.s32 $0xFFFFFFFF  }
0xb9: {  	_ =	strace $0x90000048  }
0xba: {  	_ =	sfence  }
0xbb: {  	s30 =	sld [smem:$0x0];
	_ =	sdelay $0x2  }
0xbc: {  	s31 =	sshll.u32 s1, $0xD;
	s1 =	sshrl.u32 s1, $0x2  }
0xbd: {  	s3 =	sand.u32 $0x4000, s31;
	s1 =	sadd.s32 s1, s30  }
0xbe: {  	s0 =	sor.u32 s3, s0;
	s1 =	sshll.u32 s1, $0x11  }
0xbf: {  	s0 =	sor.u32 s1, s0  }
0xc0: {  	s0 =	sadd.s32 $0x8F2B, s0  }
0xc1: {  	[sflag:s0] =	ssyncadd.remote.s32 $0x1  }
0xc2: {  	_ =	sfence.sel $0xFFFF  }
0xc3: {  	[dreg:$0x0] =	wrdreg $0xFFFFFFFF;
	(pc) =	sbr.abs _section_cstart, $3  }
0xc4: {  	[dreg:$0x1] =	wrdreg $0xFFFFFFFF  }
0xc5: {  	_ =	task.clear_ibuf [dreg:s9], $0x2FFFF;
	_ =	strace $0x9FFFFFFF  }
0xc6: {  	(tm) =	ssettm $0x7FFFFFFF  }
0xc7: {  	_ =	shalt  }
tec
execute0_lowered:
.L_overlay_start_1:
0x0: {  	(tag) =	ssettag $0x1  }
0x1: {  	s0 =	rddreg [dreg:$0x0]  }
0x2: {  	s1 =	rddreg [dreg:$0x1]  }
0x3: {  	s3 =	rddreg [dreg:$0x2]  }
0x4: {  	s4 =	rddreg [dreg:$0x3]  }
0x5: {  	s2 =	simm.s32 $0x0;
	s5 =	srdreg.scid;
	s9 =	stileid.u32  }
0x6: {  	s19 =	simm.s32 $0x4000;
	s20 =	simm.s32 $0x1;
	s21 =	simm.s32 $0x6000  }
0x7: {  	s28 =	simm.s32 $0x80;
	s29 =	simm.s32 $0x400;
	s30 =	simm.s32 $0x3  }
0x8: {  	s31 =	simm.s32 $0x0;
	[smem:$0x7FF] =	sst s2;
	s5 =	sand.u32 $0x1, s5  }
0x9: {  	s6 =	sshll.u32 s9, $0xB;
	s8 =	sshll.u32 s9, $0x4;
	s9 =	sshll.u32 s9, $0xC  }
0xa: {  	v0 =	vimm.s32 $0xEFCDAB89;
	s7 =	sshll.u32 s5, $0xF;
	s6 =	sand.u32 $0x4000, s6;
	_ =	strace $0x80000047  }
0xb: {  	v1 =	vimm.s32 $0x67452301;
	vm0 =	vcmask $0xF0C;
	s22 =	sand.u32 $0x70, s8;
	s23 =	ssub.s32 $0x2, s5;
	s5 =	sshll.u32 s5, $0x10  }
0xc: {  	vm1 =	vcmask $0x704;
	v0 =	vunpack.c.l.s4.s8 v0;
	v1 =	vunpack.c.l.s4.s8 v1;
	s6 =	sor.u32 s7, s6;
	s24 =	sshrl.u32 s23, $0x1;
	s10 =	sor.u32 s9, s5  }
0xd: {  	vm0 =	vmor vm1, vm0;
	s6 =	sor.u32 s22, s6;
	s17 =	ssub.s32 s23, s24;
	s25 =	sadd.s32 s0, s10  }
0xe: {  	vm1 =	vcmask $0x1714;
	v0 =	vunpack.c.0.s8.s32 v0;
	v1 =	vunpack.c.0.s8.s32 v1;
	s5 =	sadd.s32 s3, s10;
	s26 =	sor.u32 $0x400, s10;
	s11 =	sor.u32 $0x800, s10  }
0xf: {  	vm0 =	vmor vm0, vm1;
	vm1 =	vcmask $0x1F1C;
	s14 =	sor.u32 $0xC00, s10;
	s22 =	simm.s32 $0x8000;
	s23 =	simm.s32 $0xA000  }
0x10: {  	vm0 =	vmor vm0, vm1;
	vm1 =	vcmask $0x2724;
	s24 =	simm.s32 $0xC000;
	s16 =	sadd.s32 s6, s4;
	[dreg:$0x5] =	wrdreg s25;
	v0 =	vcombine.low v1, v0  }
0x11: {  	vm0 =	vmor vm0, vm1;
	s4 =	sadd.s32 s1, s10;
	s6 =	sadd.s32 s0, s26;
	s7 =	sadd.s32 s1, s26  }
0x12: {  	vm1 =	vcmask $0x2F2C;
	s8 =	sadd.s32 s3, s26;
	s9 =	sadd.s32 s0, s11;
	s10 =	sadd.s32 s1, s11;
	v1 =	vimm.s32 $0x1;
	v0 =	vand.u32 $0xF, v0  }
0x13: {  	s11 =	sadd.s32 s3, s11;
	s12 =	sadd.s32 s0, s14;
	s13 =	sadd.s32 s1, s14;
	vm0 =	vmor vm0, vm1;
	vm1 =	vcmask $0x3734;
	v2 =	vperm.xlane v1, v0  }
0x14: {  	vm2 =	vcmask $0x3F3C;
	s14 =	sadd.s32 s3, s14;
	s17 =	smax.u32 s17, $0x1;
	s25 =	simm.s32 $0x10000;
	vm1 =	vmor vm0, vm1  }
0x15: {  	s26 =	simm.s32 $0x2;
	s15 =	sadd.s32 $0x1000, s16;
	s16 =	sadd.s32 $0x11000, s16;
	vm1 =	vmor vm1, vm2;
	v1 =	vimm.f32 $0.0e+00;
	vm0 =	veq.s32 v2, $0x1  }
.LBB2_1:
0x16: {  	s0 =	rddreg [dreg:$0x5]  }
0x17: {  	[tilespmem:s2], [sflag:$0x1] =	stream.linear.gather [hbm4b:s0+s2], $0x2000, $0x38;
	[tilespmem:$0x14000] =	vst v63  }
0x18: {  	s18 =	simm.s32 $0x2000  }
0x19: {  	[tilespmem:s18], [sflag:$0x1] =	stream.linear.gather [hbm4b:s4+s2], $0x2000, $0x38;
	[tilespmem:$0x14000] =	vst v63  }
0x1a: {  	s0 =	simm.s32 $0xC040  }
0x1b: {  	[tilespmem:s19], [sflag:$0x1] =	stream.linear.gather [hbm4b:s5+s2], $0x2000, $0x38;
	[tilespmem:$0x14000] =	vst v63  }
0x1c: {  	[tilespmem:s0+$0x30] =	vst v1  }
0x1d: {  	[tilespmem:s0+$0xFFFFFFF0] =	vst v1  }
0x1e: {  	[tilespmem:s0+$0xFFFFFFC0] =	vst v1  }
0x1f: {  	[tilespmem:s0+$0xFFFFFFE0] =	vst v1  }
0x20: {  	[tilespmem:s0+$0x10] =	vst v1  }
0x21: {  	[tilespmem:s0+$0x20] =	vst v1  }
0x22: {  	[tilespmem:s0+$0x0] =	vst v1  }
0x23: {  	s1 =	simm.s32 $0x10040;
	[tilespmem:s0+$0xFFFFFFD0] =	vst v1  }
0x24: {  	[tilespmem:s1+$0xFFFFFFC0] =	vst v1  }
0x25: {  	[tilespmem:s1+$0x30] =	vst v1  }
0x26: {  	[tilespmem:s1+$0x20] =	vst v1  }
0x27: {  	[tilespmem:s1+$0x10] =	vst v1  }
0x28: {  	[tilespmem:s1+$0xFFFFFFE0] =	vst v1  }
0x29: {  	[tilespmem:s1+$0x0] =	vst v1  }
0x2a: {  	s3 =	simm.s32 $0x0;
	[tilespmem:s1+$0xFFFFFFF0] =	vst v1  }
.LBB2_2:
0x2b: {  	s3 =	sadd.s32 $0x8, s3;
	[tilespmem:s1+$0xFFFFFFD0] =	vst v1;
	s0 =	sadd.s32 $0x80, s0;
	s1 =	sadd.s32 $0x80, s1  }
0x2c: {  	[tilespmem:s0+$0x30] =	vst v1;
	p0 =	slt.u32 s3, $0x3F8  }
0x2d: {  	[tilespmem:s0+$0xFFFFFFF0] =	vst v1  }
0x2e: {  	[tilespmem:s0+$0xFFFFFFC0] =	vst v1  }
0x2f: {  	[tilespmem:s1+$0xFFFFFFC0] =	vst v1  }
0x30: {  	[tilespmem:s1+$0x30] =	vst v1  }
0x31: {  	[tilespmem:s0+$0xFFFFFFE0] =	vst v1  }
0x32: {  	[tilespmem:s0+$0x10] =	vst v1  }
0x33: {  	[tilespmem:s0+$0x20] =	vst v1  }
0x34: {  	[tilespmem:s1+$0x20] =	vst v1  }
0x35: {  	[tilespmem:s1+$0x10] =	vst v1  }
.Ltmp0:
0x36: {  	[tilespmem:s1+$0xFFFFFFE0] =	vst v1;
	(pc) =	sbr.rel @p0 .LBB2_2-.Ltmp0, $4  }
0x37: {  	[tilespmem:s0+$0x0] =	vst v1  }
0x38: {  	[tilespmem:s1+$0x0] =	vst v1  }
0x39: {  	[tilespmem:s1+$0xFFFFFFF0] =	vst v1  }
0x3a: {  	[tilespmem:s0+$0xFFFFFFD0] =	vst v1  }
0x3b: {  	[tilespmem:s1+$0xFFFFFFD0] =	vst v1  }
0x3c: {  	_ =	swait.ge [sflag:s20], $0x2000  }
0x3d: {  	[sflag:s20] =	ssyncset.done $0x0  }
0x3e: {  	[sflag:s20] =	ssyncadd.s32 $0xFFFFE000  }
0x3f: {  	_ =	swait.ge [sflag:s20], $0x2000  }
0x40: {  	[sflag:s20] =	ssyncset.done $0x0  }
0x41: {  	[sflag:s20] =	ssyncadd.s32 $0xFFFFE000  }
0x42: {  	_ =	swait.ge [sflag:s20], $0x2000  }
0x43: {  	[sflag:s20] =	ssyncset.done $0x0  }
0x44: {  	[sflag:s20] =	ssyncadd.s32 $0xFFFFE000  }
0x45: {  	[tilespmem:s21], [sflag:$0x2] =	stream.linear.gather [hbm4b:s6+s2], $0x2000, $0x38;
	[tilespmem:$0x14000] =	vst v63  }
0x46: {  	_ = 	snop  }
0x47: {  	[tilespmem:s22], [sflag:$0x2] =	stream.linear.gather [hbm4b:s7+s2], $0x2000, $0x38;
	[tilespmem:$0x14000] =	vst v63  }
0x48: {  	s3 =	simm.s32 $0x4040  }
0x49: {  	[tilespmem:s23], [sflag:$0x2] =	stream.linear.gather [hbm4b:s8+s2], $0x2000, $0x38;
	[tilespmem:$0x14000] =	vst v63  }
0x4a: {  	s0 =	simm.s32 $0x40;
	v3 =	vld [tilespmem:s3+$0xFFFFFFC0]  }
0x4b: {  	s18 =	simm.s32 $0x2040;
	v11 =	vld [tilespmem:s0+$0x10]  }
0x4c: {  	v5 =	vld [tilespmem:s18+$0xFFFFFFC0]  }
0x4d: {  	v6 =	vld [tilespmem:s18+$0xFFFFFFE0]  }
0x4e: {  	v7 =	vld [tilespmem:s18+$0xFFFFFFD0]  }
0x4f: {  	v2 =	vld [tilespmem:s18+$0x0]  }
0x50: {  	v4 =	vld [tilespmem:s18+$0x10]  }
0x51: {  	v8 =	vld [tilespmem:s3+$0x10]  }
0x52: {  	v9 =	vld [tilespmem:s0+$0x0]  }
0x53: {  	v10 =	vld [tilespmem:s3+$0x0]  }
0x54: {  	v13 =	vld [tilespmem:s18+$0xFFFFFFF0]  }
0x55: {  	v14 =	vld [tilespmem:s3+$0xFFFFFFE0]  }
0x56: {  	v17 =	vld [tilespmem:s3+$0xFFFFFFF0];
	v16 =	vmul.f32 $0.0e+00, v11;
	v4 =	vshll.u32 v4, $0xD  }
0x57: {  	v15 =	vld [tilespmem:s3+$0xFFFFFFD0];
	v18 =	vmul.f32 $0.0e+00, v9;
	v19 =	vperm.xlane v9, v0;
	v6 =	vshll.u32 v6, $0xD  }
0x58: {  	v5 =	vshll.u32 v5, $0xD;
	v23 =	vperm.xlane v11, v0;
	v12 =	vadd.s32 v8, v4  }
0x59: {  	v4 =	vshll.u32 v2, $0xD;
	v8 =	vshll.u32 v13, $0xD;
	v13 =	vshll.u32 v7, $0xD  }
0x5a: {  	v2 =	vld [tilespmem:s0+$0xFFFFFFF0];
	v7 =	vadd.s32 v14, v6;
	v3 =	vadd.s32 v3, v5;
	v21 =	vperm.xlane v12, v0  }
0x5b: {  	v4 =	vadd.s32 v10, v4;
	v14 =	vadd.f32 $1.000000000e+00, v18;
	v5 =	vadd.s32 v17, v8  }
0x5c: {  	v18 =	vld [tilespmem:s0+$0xFFFFFFC0];
	v6 =	vadd.s32 v15, v13;
	v10 =	vperm.xlane v4, v0;
	v13 =	vperm.xlane v5, v0  }
0x5d: {  	v8 =	vld [tilespmem:s0+$0xFFFFFFD0];
	v17 =	vperm.xlane v3, v0;
	v26 =	vadd.f32 $1.000000000e+00, v16;
	v16 =	vperm.xlane v6, v0  }
0x5e: {  	v20 =	vperm.xlane v14, v0;
	vm2 =	veq.s32 v4, v10;
	vm4 =	veq.s32 v5, v13  }
0x5f: {  	vm6 =	vmand vm0, vm2;
	v10 =	vperm.xlane v2, v0;
	vm2 =	veq.s32 v12, v21  }
0x60: {  	v15 =	vnsel vm6, $0x0, v19;
	vm8 =	vmand vm6, vm1;
	v19 =	vperm.xlane v7, v0  }
0x61: {  	v13 =	vld [tilespmem:s0+$0x30];
	vm9 =	vmand vm0, vm2;
	v21 =	vperm.xlane v18, v0;
	vm2 =	veq.s32 v3, v17  }
0x62: {  	v27 =	vld [tilespmem:s18+$0x30];
	v25 =	vperm.xlane v8, v0;
	v17 =	vmul.f32 $0.0e+00, v18;
	vm5 =	vmand vm2, vm0  }
0x63: {  	v22 =	vld [tilespmem:s0+$0xFFFFFFE0];
	vm2 =	veq.s32 v6, v16;
	v16 =	vmul.f32 $0.0e+00, v2;
	vm11 =	vmand vm9, vm1  }
0x64: {  	v28 =	vld [tilespmem:s3+$0x30];
	v23 =	vnsel vm9, $0x0, v23;
	vm3 =	vmand vm5, vm1;
	vm7 =	vmand vm0, vm2  }
0x65: {  	v30 =	vld [tilespmem:s3+$0x20];
	v24 =	vnsel vm5, $0x0, v21;
	vm10 =	veq.s32 v7, v19;
	vm2 =	vmneg vm3  }
0x66: {  	s1 =	simm.s32 $0x40C0;
	v31 =	vld [tilespmem:s18+$0x20];
	v18 =	vadd.f32 v24, v18;
	vm3 =	vmand vm7, vm1;
	v24 =	vperm.xlane v13, v0  }
0x67: {  	s3 =	simm.s32 $0x20C0;
	s18 =	simm.s32 $0xC0;
	v21 =	vld [tilespmem:s0+$0x20];
	s0 =	simm.s32 $0x0;
	v19 =	vnsel vm7, $0x0, v25;
	v29 =	vmul.f32 $0.0e+00, v13;
	vm3 =	vmneg vm3  }
.LBB2_4:
0x68: {  	v25 =	vld [tilespmem:s1+$0xFFFFFFC0];
	s0 =	sadd.s32 $0x8, s0;
	vm10 =	vmand vm0, vm10;
	v32 =	vadd.f32 v23, v11;
	vm11 =	vmneg vm11  }
0x69: {  	v33 =	vperm.xlane v22, v0;
	v11 =	vnsel vm6, $0x0, v20;
	v34 =	vperm.xlane v26, v0;
	v23 =	vld [tilespmem:s18+$0xFFFFFFF0];
	p0 =	slt.u32 s0, $0x1F8  }
0x6a: {  	v36 =	vadd.f32 v19, v8;
	vm8 =	vmneg vm8;
	v20 =	vadd.f32 v11, v14;
	v35 =	vld [tilespmem:s18+$0xFFFFFFD0]  }
0x6b: {  	v8 =	vmul.f32 $0.0e+00, v8;
	vm6 =	vmand vm10, vm1;
	v14 =	vnsel vm9, $0x0, v34;
	v19 =	vld [tilespmem:s18+$0xFFFFFFC0]  }
0x6c: {  	vm6 =	vmneg vm6;
	v14 =	vadd.f32 v14, v26;
	v26 =	vmul.f32 $0.0e+00, v21;
	v11 =	vld [tilespmem:s18+$0x10]  }
0x6d: {  	v38 =	vperm.xlane v21, v0;
	v37 =	vadd.f32 $1.000000000e+00, v8;
	v33 =	vnsel vm10, $0x0, v33;
	v34 =	vld [tilespmem:s3+$0xFFFFFFC0]  }
0x6e: {  	v15 =	vadd.f32 v15, v9;
	v29 =	vadd.f32 $1.000000000e+00, v29;
	[tilespmem:v12+s24+$0x0] =	vst.idx.add.f32.msk vm11, v32;
	v32 =	vshll.u32 v31, $0xD  }
0x6f: {  	v27 =	vshll.u32 v27, $0xD;
	v9 =	vperm.xlane v37, v0;
	v31 =	vld [tilespmem:s3+$0xFFFFFFE0];
	v30 =	vadd.s32 v30, v32;
	v8 =	vmovc v35  }
0x70: {  	v27 =	vadd.s32 v28, v27;
	v28 =	vperm.xlane v29, v0;
	v32 =	vld [tilespmem:s3+$0xFFFFFFD0];
	v35 =	vperm.xlane v30, v0  }
0x71: {  	v9 =	vnsel vm7, $0x0, v9;
	[tilespmem:v12+s25+$0x0] =	vst.idx.add.f32.msk vm11, v14;
	v12 =	vadd.f32 $1.000000000e+00, v26;
	v14 =	vperm.xlane v27, v0  }
0x72: {  	v37 =	vadd.f32 v9, v37;
	v9 =	vmul.f32 $0.0e+00, v22;
	v26 =	vld [tilespmem:s3+$0xFFFFFFF0];
	vm7 =	veq.s32 v30, v35  }
0x73: {  	v35 =	vld [tilespmem:s1+$0xFFFFFFD0];
	v39 =	vperm.xlane v12, v0;
	vm7 =	vmand vm0, vm7;
	vm9 =	veq.s32 v27, v14  }
0x74: {  	v14 =	vld [tilespmem:s3+$0x0];
	v38 =	vnsel vm7, $0x0, v38;
	vm11 =	vmand vm7, vm1;
	vm9 =	vmand vm0, vm9  }
0x75: {  	v41 =	vadd.f32 $1.000000000e+00, v9;
	v40 =	vld [tilespmem:s3+$0x10];
	v39 =	vnsel vm7, $0x0, v39;
	vm7 =	vmneg vm11  }
0x76: {  	v17 =	vadd.f32 $1.000000000e+00, v17;
	v24 =	vnsel vm9, $0x0, v24;
	vm11 =	vmand vm9, vm1;
	v42 =	vld [tilespmem:s1+$0x10]  }
0x77: {  	v43 =	vperm.xlane v41, v0;
	v28 =	vnsel vm9, $0x0, v28;
	vm9 =	vmneg vm11;
	v9 =	vld [tilespmem:s18+$0x0]  }
0x78: {  	v45 =	vperm.xlane v17, v0;
	v22 =	vadd.f32 v33, v22;
	v28 =	vadd.f32 v28, v29;
	v44 =	vld [tilespmem:s1+$0x0]  }
0x79: {  	v33 =	vnsel vm10, $0x0, v43;
	v21 =	vadd.f32 v38, v21;
	v38 =	vadd.f32 v39, v12;
	v29 =	vld [tilespmem:s1+$0xFFFFFFF0]  }
0x7a: {  	v16 =	vadd.f32 $1.000000000e+00, v16;
	v12 =	vnsel vm5, $0x0, v45;
	v33 =	vadd.f32 v33, v41;
	v39 =	vld [tilespmem:s1+$0xFFFFFFE0]  }
0x7b: {  	v41 =	vmul.f32 $0.0e+00, v11;
	v13 =	vadd.f32 v24, v13;
	v17 =	vadd.f32 v12, v17;
	[tilespmem:v7+s24+$0x0] =	vst.idx.add.f32.msk vm6, v22  }
0x7c: {  	v12 =	vshll.u32 v40, $0xD;
	v22 =	vmul.f32 $0.0e+00, v9;
	[tilespmem:v3+s24+$0x0] =	vst.idx.add.f32.msk vm2, v18;
	v18 =	vperm.xlane v16, v0  }
0x7d: {  	vm4 =	vmand vm0, vm4;
	v12 =	vadd.s32 v42, v12;
	v24 =	vperm.xlane v9, v0;
	[tilespmem:v30+s24+$0x0] =	vst.idx.add.f32.msk vm7, v21  }
0x7e: {  	v14 =	vshll.u32 v14, $0xD;
	v21 =	vperm.xlane v12, v0;
	[tilespmem:v7+s25+$0x0] =	vst.idx.add.f32.msk vm6, v33;
	v33 =	vnsel vm4, $0x0, v10  }
0x7f: {  	vm5 =	vmand vm4, vm1;
	v40 =	vadd.s32 v44, v14;
	v10 =	vshll.u32 v26, $0xD;
	[tilespmem:v27+s24+$0x0] =	vst.idx.add.f32.msk vm9, v13  }
0x80: {  	vm5 =	vmneg vm5;
	v7 =	vshll.u32 v31, $0xD;
	v13 =	vperm.xlane v40, v0;
	[tilespmem:v30+s25+$0x0] =	vst.idx.add.f32.msk vm7, v38  }
0x81: {  	v26 =	vshll.u32 v32, $0xD;
	v14 =	vadd.f32 $1.000000000e+00, v22;
	v7 =	vadd.s32 v39, v7;
	[tilespmem:v27+s25+$0x0] =	vst.idx.add.f32.msk vm9, v28  }
0x82: {  	v22 =	vshll.u32 v34, $0xD;
	vm6 =	veq.s32 v40, v13;
	v13 =	vnsel vm4, $0x0, v18;
	[tilespmem:v4+s24+$0x0] =	vst.idx.add.f32.msk vm8, v15  }
0x83: {  	v18 =	vadd.s32 v25, v22;
	vm6 =	vmand vm0, vm6;
	v16 =	vadd.f32 v13, v16;
	[tilespmem:v6+s24+$0x0] =	vst.idx.add.f32.msk vm3, v36  }
0x84: {  	v25 =	vadd.s32 v35, v26;
	v28 =	vadd.s32 v29, v10;
	v15 =	vnsel vm6, $0x0, v24;
	[tilespmem:v4+s25+$0x0] =	vst.idx.add.f32.msk vm8, v20  }
0x85: {  	v10 =	vperm.xlane v23, v0;
	v22 =	vadd.f32 v33, v2;
	v2 =	vmovc v23;
	v4 =	vperm.xlane v28, v0;
	v13 =	vld [tilespmem:s18+$0x30]  }
0x86: {  	vm7 =	veq.s32 v12, v21;
	v20 =	vperm.xlane v14, v0;
	vm8 =	vmand vm6, vm1;
	[tilespmem:v6+s25+$0x0] =	vst.idx.add.f32.msk vm3, v37  }
0x87: {  	v23 =	vperm.xlane v7, v0;
	v26 =	vadd.f32 $1.000000000e+00, v41;
	v6 =	vperm.xlane v18, v0;
	[tilespmem:v5+s24+$0x0] =	vst.idx.add.f32.msk vm5, v22  }
0x88: {  	vm9 =	vmand vm0, vm7;
	v21 =	vperm.xlane v25, v0;
	vm4 =	veq.s32 v28, v4;
	[tilespmem:v5+s25+$0x0] =	vst.idx.add.f32.msk vm5, v16  }
0x89: {  	v29 =	vperm.xlane v11, v0;
	v24 =	vperm.xlane v19, v0;
	vm3 =	veq.s32 v18, v6;
	v4 =	vmovc v40;
	v27 =	vld [tilespmem:s3+$0x30]  }
0x8a: {  	v31 =	vperm.xlane v8, v0;
	vm5 =	vmand vm3, vm0;
	vm3 =	veq.s32 v25, v21;
	[tilespmem:v3+s25+$0x0] =	vst.idx.add.f32.msk vm2, v17  }
.Ltmp1:
0x8b: {  	v17 =	vmul.f32 $0.0e+00, v19;
	vm2 =	vmand vm5, vm1;
	vm7 =	vmand vm0, vm3;
	v3 =	vmovc v18;
	v6 =	vmovc v25;
	v22 =	vld [tilespmem:s18+$0xFFFFFFE0];
	(pc) =	sbr.rel @p0 .LBB2_4-.Ltmp1, $4  }
0x8c: {  	v16 =	vmul.f32 $0.0e+00, v2;
	v5 =	vmovc v28;
	v18 =	vnsel vm5, $0x0, v24;
	vm2 =	vmneg vm2;
	v21 =	vld [tilespmem:s18+$0x20]  }
0x8d: {  	vm11 =	vmand vm9, vm1;
	v18 =	vadd.f32 v18, v19;
	vm3 =	vmand vm7, vm1;
	v28 =	vld [tilespmem:s1+$0x30]  }
0x8e: {  	vm10 =	veq.s32 v7, v23;
	v24 =	vperm.xlane v13, v0;
	vm3 =	vmneg vm3;
	v30 =	vld [tilespmem:s1+$0x20]  }
0x8f: {  	v23 =	vnsel vm9, $0x0, v29;
	v29 =	vmul.f32 $0.0e+00, v13;
	v19 =	vnsel vm7, $0x0, v31;
	s18 =	sadd.s32 $0x80, s18;
	s1 =	sadd.s32 $0x80, s1;
	v31 =	vld [tilespmem:s3+$0x20];
	s3 =	sadd.s32 $0x80, s3  }
0x90: {  	_ =	sdelay $0x1  }
0x91: {  	vm10 =	vmand vm0, vm10;
	v11 =	vadd.f32 v23, v11;
	vm12 =	vmneg vm11  }
0x92: {  	v23 =	vperm.xlane v22, v0;
	v25 =	vperm.xlane v26, v0;
	v27 =	vshll.u32 v27, $0xD  }
0x93: {  	vm8 =	vmneg vm8;
	vm4 =	vmand vm0, vm4;
	v31 =	vshll.u32 v31, $0xD  }
0x94: {  	vm11 =	vmand vm10, vm1;
	v29 =	vadd.f32 $1.000000000e+00, v29;
	v30 =	vadd.s32 v30, v31  }
0x95: {  	v25 =	vnsel vm9, $0x0, v25;
	v27 =	vadd.s32 v28, v27;
	v31 =	vperm.xlane v30, v0  }
0x96: {  	vm9 =	vmneg vm11;
	v28 =	vmul.f32 $0.0e+00, v21;
	v23 =	vnsel vm10, $0x0, v23  }
0x97: {  	v25 =	vadd.f32 v25, v26;
	v26 =	vperm.xlane v27, v0;
	vm11 =	veq.s32 v30, v31  }
0x98: {  	[tilespmem:v12+s24+$0x0] =	vst.idx.add.f32.msk vm12, v11;
	v11 =	vadd.f32 $1.000000000e+00, v28;
	v31 =	vmul.f32 $0.0e+00, v22;
	vm13 =	vmand vm0, vm11  }
0x99: {  	[tilespmem:v12+s25+$0x0] =	vst.idx.add.f32.msk vm12, v25;
	v25 =	vmul.f32 $0.0e+00, v8;
	vm11 =	veq.s32 v27, v26;
	vm14 =	vmand vm13, vm1  }
0x9a: {  	v31 =	vadd.f32 $1.000000000e+00, v31;
	vm15 =	vmand vm0, vm11;
	vm11 =	vmneg vm14  }
0x9b: {  	v22 =	vadd.f32 v23, v22;
	v26 =	vperm.xlane v21, v0;
	vm14 =	vmand vm15, vm1  }
0x9c: {  	v8 =	vadd.f32 v19, v8;
	v23 =	vperm.xlane v31, v0;
	vm14 =	vmneg vm14  }
0x9d: {  	[tilespmem:v7+s24+$0x0] =	vst.idx.add.f32.msk vm9, v22;
	v22 =	vperm.xlane v11, v0;
	v26 =	vnsel vm13, $0x0, v26;
	v24 =	vnsel vm15, $0x0, v24  }
0x9e: {  	[tilespmem:v3+s24+$0x0] =	vst.idx.add.f32.msk vm2, v18;
	v21 =	vadd.f32 v26, v21;
	v12 =	vnsel vm10, $0x0, v23;
	v23 =	vperm.xlane v29, v0  }
0x9f: {  	[tilespmem:v6+s24+$0x0] =	vst.idx.add.f32.msk vm3, v8;
	v18 =	vnsel vm13, $0x0, v22;
	v13 =	vadd.f32 v24, v13;
	v12 =	vadd.f32 v12, v31  }
0xa0: {  	v11 =	vadd.f32 v18, v11;
	v22 =	vnsel vm15, $0x0, v23;
	[tilespmem:v30+s24+$0x0] =	vst.idx.add.f32.msk vm11, v21;
	v21 =	vadd.f32 $1.000000000e+00, v25  }
0xa1: {  	[tilespmem:v7+s25+$0x0] =	vst.idx.add.f32.msk vm9, v12;
	v7 =	vadd.f32 v15, v9;
	v9 =	vadd.f32 v22, v29;
	vm9 =	vmand vm4, vm1  }
0xa2: {  	[tilespmem:v27+s24+$0x0] =	vst.idx.add.f32.msk vm14, v13;
	v13 =	vadd.f32 $1.000000000e+00, v16;
	vm9 =	vmneg vm9;
	v12 =	vperm.xlane v21, v0  }
0xa3: {  	v15 =	vadd.f32 $1.000000000e+00, v17;
	[tilespmem:v30+s25+$0x0] =	vst.idx.add.f32.msk vm11, v11;
	v11 =	vnsel vm6, $0x0, v20  }
0xa4: {  	[tilespmem:v27+s25+$0x0] =	vst.idx.add.f32.msk vm14, v9;
	v9 =	vadd.f32 v11, v14;
	v11 =	vnsel vm7, $0x0, v12;
	v12 =	vperm.xlane v13, v0  }
0xa5: {  	v10 =	vnsel vm4, $0x0, v10;
	[tilespmem:v4+s24+$0x0] =	vst.idx.add.f32.msk vm8, v7;
	v7 =	vadd.f32 v11, v21;
	v11 =	vperm.xlane v15, v0  }
0xa6: {  	v2 =	vadd.f32 v10, v2;
	[tilespmem:v4+s25+$0x0] =	vst.idx.add.f32.msk vm8, v9;
	v8 =	vnsel vm4, $0x0, v12  }
0xa7: {  	v4 =	vnsel vm5, $0x0, v11;
	v8 =	vadd.f32 v8, v13;
	[tilespmem:v6+s25+$0x0] =	vst.idx.add.f32.msk vm3, v7  }
0xa8: {  	[tilespmem:v5+s24+$0x0] =	vst.idx.add.f32.msk vm9, v2;
	v4 =	vadd.f32 v4, v15  }
0xa9: {  	[tilespmem:v5+s25+$0x0] =	vst.idx.add.f32.msk vm9, v8  }
0xaa: {  	[tilespmem:v3+s25+$0x0] =	vst.idx.add.f32.msk vm2, v4  }
0xab: {  	_ =	swait.ge [sflag:s26], $0x2000  }
0xac: {  	[sflag:s26] =	ssyncset.done $0x0  }
0xad: {  	[sflag:s26] =	ssyncadd.s32 $0xFFFFE000  }
0xae: {  	_ =	swait.ge [sflag:s26], $0x2000  }
0xaf: {  	[sflag:s26] =	ssyncset.done $0x0  }
0xb0: {  	[sflag:s26] =	ssyncadd.s32 $0xFFFFE000  }
0xb1: {  	_ =	swait.ge [sflag:s26], $0x2000  }
0xb2: {  	[sflag:s26] =	ssyncset.done $0x0  }
0xb3: {  	[sflag:s26] =	ssyncadd.s32 $0xFFFFE000  }
0xb4: {  	[tilespmem:s2], [sflag:$0x1] =	stream.linear.gather [hbm4b:s9+s2], $0x2000, $0x38;
	[tilespmem:$0x14000] =	vst v63  }
0xb5: {  	s0 =	simm.s32 $0x2000  }
0xb6: {  	[tilespmem:s0], [sflag:$0x1] =	stream.linear.gather [hbm4b:s10+s2], $0x2000, $0x38;
	[tilespmem:$0x14000] =	vst v63  }
0xb7: {  	s3 =	simm.s32 $0xA040  }
0xb8: {  	[tilespmem:s19], [sflag:$0x1] =	stream.linear.gather [hbm4b:s11+s2], $0x2000, $0x38;
	[tilespmem:$0x14000] =	vst v63  }
0xb9: {  	s18 =	simm.s32 $0x6040;
	v3 =	vld [tilespmem:s3+$0xFFFFFFC0]  }
0xba: {  	s1 =	simm.s32 $0x8040;
	v11 =	vld [tilespmem:s18+$0x10]  }
0xbb: {  	v5 =	vld [tilespmem:s1+$0xFFFFFFC0]  }
0xbc: {  	v6 =	vld [tilespmem:s1+$0xFFFFFFE0]  }
0xbd: {  	v7 =	vld [tilespmem:s1+$0xFFFFFFD0]  }
0xbe: {  	v2 =	vld [tilespmem:s1+$0x0]  }
0xbf: {  	v4 =	vld [tilespmem:s1+$0x10]  }
0xc0: {  	v8 =	vld [tilespmem:s3+$0x10]  }
0xc1: {  	v9 =	vld [tilespmem:s18+$0x0]  }
0xc2: {  	v10 =	vld [tilespmem:s3+$0x0]  }
0xc3: {  	v13 =	vld [tilespmem:s1+$0xFFFFFFF0]  }
0xc4: {  	v14 =	vld [tilespmem:s3+$0xFFFFFFE0]  }
0xc5: {  	v17 =	vld [tilespmem:s3+$0xFFFFFFF0];
	v16 =	vmul.f32 $0.0e+00, v11;
	v4 =	vshll.u32 v4, $0xD  }
0xc6: {  	v15 =	vld [tilespmem:s3+$0xFFFFFFD0];
	v18 =	vmul.f32 $0.0e+00, v9;
	v19 =	vperm.xlane v9, v0;
	v6 =	vshll.u32 v6, $0xD  }
0xc7: {  	v5 =	vshll.u32 v5, $0xD;
	v23 =	vperm.xlane v11, v0;
	v12 =	vadd.s32 v8, v4  }
0xc8: {  	v4 =	vshll.u32 v2, $0xD;
	v8 =	vshll.u32 v13, $0xD;
	v13 =	vshll.u32 v7, $0xD  }
0xc9: {  	v2 =	vld [tilespmem:s18+$0xFFFFFFF0];
	v7 =	vadd.s32 v14, v6;
	v3 =	vadd.s32 v3, v5;
	v21 =	vperm.xlane v12, v0  }
0xca: {  	v4 =	vadd.s32 v10, v4;
	v14 =	vadd.f32 $1.000000000e+00, v18;
	v5 =	vadd.s32 v17, v8  }
0xcb: {  	v18 =	vld [tilespmem:s18+$0xFFFFFFC0];
	v6 =	vadd.s32 v15, v13;
	v10 =	vperm.xlane v4, v0;
	v13 =	vperm.xlane v5, v0  }
0xcc: {  	v8 =	vld [tilespmem:s18+$0xFFFFFFD0];
	v17 =	vperm.xlane v3, v0;
	v26 =	vadd.f32 $1.000000000e+00, v16;
	v16 =	vperm.xlane v6, v0  }
0xcd: {  	v20 =	vperm.xlane v14, v0;
	vm2 =	veq.s32 v4, v10;
	vm4 =	veq.s32 v5, v13  }
0xce: {  	vm6 =	vmand vm0, vm2;
	v10 =	vperm.xlane v2, v0;
	vm2 =	veq.s32 v12, v21  }
0xcf: {  	v15 =	vnsel vm6, $0x0, v19;
	vm8 =	vmand vm6, vm1;
	v19 =	vperm.xlane v7, v0  }
0xd0: {  	v13 =	vld [tilespmem:s18+$0x30];
	vm9 =	vmand vm0, vm2;
	v21 =	vperm.xlane v18, v0;
	vm2 =	veq.s32 v3, v17  }
0xd1: {  	v27 =	vld [tilespmem:s1+$0x30];
	v25 =	vperm.xlane v8, v0;
	v17 =	vmul.f32 $0.0e+00, v18;
	vm5 =	vmand vm2, vm0  }
0xd2: {  	v22 =	vld [tilespmem:s18+$0xFFFFFFE0];
	vm2 =	veq.s32 v6, v16;
	v16 =	vmul.f32 $0.0e+00, v2;
	vm11 =	vmand vm9, vm1  }
0xd3: {  	v28 =	vld [tilespmem:s3+$0x30];
	v23 =	vnsel vm9, $0x0, v23;
	vm3 =	vmand vm5, vm1;
	vm7 =	vmand vm0, vm2  }
0xd4: {  	v30 =	vld [tilespmem:s3+$0x20];
	v24 =	vnsel vm5, $0x0, v21;
	vm10 =	veq.s32 v7, v19;
	vm2 =	vmneg vm3  }
0xd5: {  	s0 =	simm.s32 $0x0;
	v31 =	vld [tilespmem:s1+$0x20];
	v18 =	vadd.f32 v24, v18;
	vm3 =	vmand vm7, vm1;
	v24 =	vperm.xlane v13, v0  }
0xd6: {  	s1 =	simm.s32 $0xA0C0;
	s3 =	simm.s32 $0x80C0;
	v21 =	vld [tilespmem:s18+$0x20];
	s18 =	simm.s32 $0x60C0;
	v19 =	vnsel vm7, $0x0, v25;
	v29 =	vmul.f32 $0.0e+00, v13;
	vm3 =	vmneg vm3  }
.LBB2_6:
0xd7: {  	v25 =	vld [tilespmem:s1+$0xFFFFFFC0];
	s0 =	sadd.s32 $0x8, s0;
	vm10 =	vmand vm0, vm10;
	v32 =	vadd.f32 v23, v11;
	vm11 =	vmneg vm11  }
0xd8: {  	v33 =	vperm.xlane v22, v0;
	v11 =	vnsel vm6, $0x0, v20;
	v34 =	vperm.xlane v26, v0;
	v23 =	vld [tilespmem:s18+$0xFFFFFFF0];
	p0 =	slt.u32 s0, $0x1F8  }
0xd9: {  	v36 =	vadd.f32 v19, v8;
	vm8 =	vmneg vm8;
	v20 =	vadd.f32 v11, v14;
	v35 =	vld [tilespmem:s18+$0xFFFFFFD0]  }
0xda: {  	v8 =	vmul.f32 $0.0e+00, v8;
	vm6 =	vmand vm10, vm1;
	v14 =	vnsel vm9, $0x0, v34;
	v19 =	vld [tilespmem:s18+$0xFFFFFFC0]  }
0xdb: {  	vm6 =	vmneg vm6;
	v14 =	vadd.f32 v14, v26;
	v26 =	vmul.f32 $0.0e+00, v21;
	v11 =	vld [tilespmem:s18+$0x10]  }
0xdc: {  	v38 =	vperm.xlane v21, v0;
	v37 =	vadd.f32 $1.000000000e+00, v8;
	v33 =	vnsel vm10, $0x0, v33;
	v34 =	vld [tilespmem:s3+$0xFFFFFFC0]  }
0xdd: {  	v15 =	vadd.f32 v15, v9;
	v29 =	vadd.f32 $1.000000000e+00, v29;
	[tilespmem:v12+s24+$0x0] =	vst.idx.add.f32.msk vm11, v32;
	v32 =	vshll.u32 v31, $0xD  }
0xde: {  	v27 =	vshll.u32 v27, $0xD;
	v9 =	vperm.xlane v37, v0;
	v31 =	vld [tilespmem:s3+$0xFFFFFFE0];
	v30 =	vadd.s32 v30, v32;
	v8 =	vmovc v35  }
0xdf: {  	v27 =	vadd.s32 v28, v27;
	v28 =	vperm.xlane v29, v0;
	v32 =	vld [tilespmem:s3+$0xFFFFFFD0];
	v35 =	vperm.xlane v30, v0  }
0xe0: {  	v9 =	vnsel vm7, $0x0, v9;
	[tilespmem:v12+s25+$0x0] =	vst.idx.add.f32.msk vm11, v14;
	v12 =	vadd.f32 $1.000000000e+00, v26;
	v14 =	vperm.xlane v27, v0  }
0xe1: {  	v37 =	vadd.f32 v9, v37;
	v9 =	vmul.f32 $0.0e+00, v22;
	v26 =	vld [tilespmem:s3+$0xFFFFFFF0];
	vm7 =	veq.s32 v30, v35  }
0xe2: {  	v35 =	vld [tilespmem:s1+$0xFFFFFFD0];
	v39 =	vperm.xlane v12, v0;
	vm7 =	vmand vm0, vm7;
	vm9 =	veq.s32 v27, v14  }
0xe3: {  	v14 =	vld [tilespmem:s3+$0x0];
	v38 =	vnsel vm7, $0x0, v38;
	vm11 =	vmand vm7, vm1;
	vm9 =	vmand vm0, vm9  }
0xe4: {  	v41 =	vadd.f32 $1.000000000e+00, v9;
	v40 =	vld [tilespmem:s3+$0x10];
	v39 =	vnsel vm7, $0x0, v39;
	vm7 =	vmneg vm11  }
0xe5: {  	v17 =	vadd.f32 $1.000000000e+00, v17;
	v24 =	vnsel vm9, $0x0, v24;
	vm11 =	vmand vm9, vm1;
	v42 =	vld [tilespmem:s1+$0x10]  }
0xe6: {  	v43 =	vperm.xlane v41, v0;
	v28 =	vnsel vm9, $0x0, v28;
	vm9 =	vmneg vm11;
	v9 =	vld [tilespmem:s18+$0x0]  }
0xe7: {  	v45 =	vperm.xlane v17, v0;
	v22 =	vadd.f32 v33, v22;
	v28 =	vadd.f32 v28, v29;
	v44 =	vld [tilespmem:s1+$0x0]  }
0xe8: {  	v33 =	vnsel vm10, $0x0, v43;
	v21 =	vadd.f32 v38, v21;
	v38 =	vadd.f32 v39, v12;
	v29 =	vld [tilespmem:s1+$0xFFFFFFF0]  }
0xe9: {  	v16 =	vadd.f32 $1.000000000e+00, v16;
	v12 =	vnsel vm5, $0x0, v45;
	v33 =	vadd.f32 v33, v41;
	v39 =	vld [tilespmem:s1+$0xFFFFFFE0]  }
0xea: {  	v41 =	vmul.f32 $0.0e+00, v11;
	v13 =	vadd.f32 v24, v13;
	v17 =	vadd.f32 v12, v17;
	[tilespmem:v7+s24+$0x0] =	vst.idx.add.f32.msk vm6, v22  }
0xeb: {  	v12 =	vshll.u32 v40, $0xD;
	v22 =	vmul.f32 $0.0e+00, v9;
	[tilespmem:v3+s24+$0x0] =	vst.idx.add.f32.msk vm2, v18;
	v18 =	vperm.xlane v16, v0  }
0xec: {  	vm4 =	vmand vm0, vm4;
	v12 =	vadd.s32 v42, v12;
	v24 =	vperm.xlane v9, v0;
	[tilespmem:v30+s24+$0x0] =	vst.idx.add.f32.msk vm7, v21  }
0xed: {  	v14 =	vshll.u32 v14, $0xD;
	v21 =	vperm.xlane v12, v0;
	[tilespmem:v7+s25+$0x0] =	vst.idx.add.f32.msk vm6, v33;
	v33 =	vnsel vm4, $0x0, v10  }
0xee: {  	vm5 =	vmand vm4, vm1;
	v40 =	vadd.s32 v44, v14;
	v10 =	vshll.u32 v26, $0xD;
	[tilespmem:v27+s24+$0x0] =	vst.idx.add.f32.msk vm9, v13  }
0xef: {  	vm5 =	vmneg vm5;
	v7 =	vshll.u32 v31, $0xD;
	v13 =	vperm.xlane v40, v0;
	[tilespmem:v30+s25+$0x0] =	vst.idx.add.f32.msk vm7, v38  }
0xf0: {  	v26 =	vshll.u32 v32, $0xD;
	v14 =	vadd.f32 $1.000000000e+00, v22;
	v7 =	vadd.s32 v39, v7;
	[tilespmem:v27+s25+$0x0] =	vst.idx.add.f32.msk vm9, v28  }
0xf1: {  	v22 =	vshll.u32 v34, $0xD;
	vm6 =	veq.s32 v40, v13;
	v13 =	vnsel vm4, $0x0, v18;
	[tilespmem:v4+s24+$0x0] =	vst.idx.add.f32.msk vm8, v15  }
0xf2: {  	v18 =	vadd.s32 v25, v22;
	vm6 =	vmand vm0, vm6;
	v16 =	vadd.f32 v13, v16;
	[tilespmem:v6+s24+$0x0] =	vst.idx.add.f32.msk vm3, v36  }
0xf3: {  	v25 =	vadd.s32 v35, v26;
	v28 =	vadd.s32 v29, v10;
	v15 =	vnsel vm6, $0x0, v24;
	[tilespmem:v4+s25+$0x0] =	vst.idx.add.f32.msk vm8, v20  }
0xf4: {  	v10 =	vperm.xlane v23, v0;
	v22 =	vadd.f32 v33, v2;
	v2 =	vmovc v23;
	v4 =	vperm.xlane v28, v0;
	v13 =	vld [tilespmem:s18+$0x30]  }
0xf5: {  	vm7 =	veq.s32 v12, v21;
	v20 =	vperm.xlane v14, v0;
	vm8 =	vmand vm6, vm1;
	[tilespmem:v6+s25+$0x0] =	vst.idx.add.f32.msk vm3, v37  }
0xf6: {  	v23 =	vperm.xlane v7, v0;
	v26 =	vadd.f32 $1.000000000e+00, v41;
	v6 =	vperm.xlane v18, v0;
	[tilespmem:v5+s24+$0x0] =	vst.idx.add.f32.msk vm5, v22  }
0xf7: {  	vm9 =	vmand vm0, vm7;
	v21 =	vperm.xlane v25, v0;
	vm4 =	veq.s32 v28, v4;
	[tilespmem:v5+s25+$0x0] =	vst.idx.add.f32.msk vm5, v16  }
0xf8: {  	v29 =	vperm.xlane v11, v0;
	v24 =	vperm.xlane v19, v0;
	vm3 =	veq.s32 v18, v6;
	v4 =	vmovc v40;
	v27 =	vld [tilespmem:s3+$0x30]  }
0xf9: {  	v31 =	vperm.xlane v8, v0;
	vm5 =	vmand vm3, vm0;
	vm3 =	veq.s32 v25, v21;
	[tilespmem:v3+s25+$0x0] =	vst.idx.add.f32.msk vm2, v17  }
.Ltmp2:
0xfa: {  	v17 =	vmul.f32 $0.0e+00, v19;
	vm2 =	vmand vm5, vm1;
	vm7 =	vmand vm0, vm3;
	v3 =	vmovc v18;
	v6 =	vmovc v25;
	v22 =	vld [tilespmem:s18+$0xFFFFFFE0];
	(pc) =	sbr.rel @p0 .LBB2_6-.Ltmp2, $4  }
0xfb: {  	v16 =	vmul.f32 $0.0e+00, v2;
	v5 =	vmovc v28;
	v18 =	vnsel vm5, $0x0, v24;
	vm2 =	vmneg vm2;
	v21 =	vld [tilespmem:s18+$0x20]  }
0xfc: {  	vm11 =	vmand vm9, vm1;
	v18 =	vadd.f32 v18, v19;
	vm3 =	vmand vm7, vm1;
	v28 =	vld [tilespmem:s1+$0x30]  }
0xfd: {  	vm10 =	veq.s32 v7, v23;
	v24 =	vperm.xlane v13, v0;
	vm3 =	vmneg vm3;
	v30 =	vld [tilespmem:s1+$0x20]  }
0xfe: {  	v23 =	vnsel vm9, $0x0, v29;
	v29 =	vmul.f32 $0.0e+00, v13;
	v19 =	vnsel vm7, $0x0, v31;
	s18 =	sadd.s32 $0x80, s18;
	s1 =	sadd.s32 $0x80, s1;
	v31 =	vld [tilespmem:s3+$0x20];
	s3 =	sadd.s32 $0x80, s3  }
0xff: {  	_ =	sdelay $0x1  }
0x100: {  	vm10 =	vmand vm0, vm10;
	v11 =	vadd.f32 v23, v11;
	vm12 =	vmneg vm11  }
0x101: {  	v23 =	vperm.xlane v22, v0;
	v25 =	vperm.xlane v26, v0;
	v27 =	vshll.u32 v27, $0xD  }
0x102: {  	vm8 =	vmneg vm8;
	vm4 =	vmand vm0, vm4;
	v31 =	vshll.u32 v31, $0xD  }
0x103: {  	vm11 =	vmand vm10, vm1;
	v29 =	vadd.f32 $1.000000000e+00, v29;
	v30 =	vadd.s32 v30, v31  }
0x104: {  	v25 =	vnsel vm9, $0x0, v25;
	v27 =	vadd.s32 v28, v27;
	v31 =	vperm.xlane v30, v0  }
0x105: {  	vm9 =	vmneg vm11;
	v28 =	vmul.f32 $0.0e+00, v21;
	v23 =	vnsel vm10, $0x0, v23  }
0x106: {  	v25 =	vadd.f32 v25, v26;
	v26 =	vperm.xlane v27, v0;
	vm11 =	veq.s32 v30, v31  }
0x107: {  	[tilespmem:v12+s24+$0x0] =	vst.idx.add.f32.msk vm12, v11;
	v11 =	vadd.f32 $1.000000000e+00, v28;
	v31 =	vmul.f32 $0.0e+00, v22;
	vm13 =	vmand vm0, vm11  }
0x108: {  	[tilespmem:v12+s25+$0x0] =	vst.idx.add.f32.msk vm12, v25;
	v25 =	vmul.f32 $0.0e+00, v8;
	vm11 =	veq.s32 v27, v26;
	vm14 =	vmand vm13, vm1  }
0x109: {  	v31 =	vadd.f32 $1.000000000e+00, v31;
	vm15 =	vmand vm0, vm11;
	vm11 =	vmneg vm14  }
0x10a: {  	v22 =	vadd.f32 v23, v22;
	v26 =	vperm.xlane v21, v0;
	vm14 =	vmand vm15, vm1  }
0x10b: {  	v8 =	vadd.f32 v19, v8;
	v23 =	vperm.xlane v31, v0;
	vm14 =	vmneg vm14  }
0x10c: {  	[tilespmem:v7+s24+$0x0] =	vst.idx.add.f32.msk vm9, v22;
	v22 =	vperm.xlane v11, v0;
	v26 =	vnsel vm13, $0x0, v26;
	v24 =	vnsel vm15, $0x0, v24  }
0x10d: {  	[tilespmem:v3+s24+$0x0] =	vst.idx.add.f32.msk vm2, v18;
	v21 =	vadd.f32 v26, v21;
	v12 =	vnsel vm10, $0x0, v23;
	v23 =	vperm.xlane v29, v0  }
0x10e: {  	[tilespmem:v6+s24+$0x0] =	vst.idx.add.f32.msk vm3, v8;
	v18 =	vnsel vm13, $0x0, v22;
	v13 =	vadd.f32 v24, v13;
	v12 =	vadd.f32 v12, v31  }
0x10f: {  	v11 =	vadd.f32 v18, v11;
	v22 =	vnsel vm15, $0x0, v23;
	[tilespmem:v30+s24+$0x0] =	vst.idx.add.f32.msk vm11, v21;
	v21 =	vadd.f32 $1.000000000e+00, v25  }
0x110: {  	[tilespmem:v7+s25+$0x0] =	vst.idx.add.f32.msk vm9, v12;
	v7 =	vadd.f32 v15, v9;
	v9 =	vadd.f32 v22, v29;
	vm9 =	vmand vm4, vm1  }
0x111: {  	[tilespmem:v27+s24+$0x0] =	vst.idx.add.f32.msk vm14, v13;
	v13 =	vadd.f32 $1.000000000e+00, v16;
	vm9 =	vmneg vm9;
	v12 =	vperm.xlane v21, v0  }
0x112: {  	v15 =	vadd.f32 $1.000000000e+00, v17;
	[tilespmem:v30+s25+$0x0] =	vst.idx.add.f32.msk vm11, v11;
	v11 =	vnsel vm6, $0x0, v20  }
0x113: {  	[tilespmem:v27+s25+$0x0] =	vst.idx.add.f32.msk vm14, v9;
	v9 =	vadd.f32 v11, v14;
	v11 =	vnsel vm7, $0x0, v12;
	v12 =	vperm.xlane v13, v0  }
0x114: {  	v10 =	vnsel vm4, $0x0, v10;
	[tilespmem:v4+s24+$0x0] =	vst.idx.add.f32.msk vm8, v7;
	v7 =	vadd.f32 v11, v21;
	v11 =	vperm.xlane v15, v0  }
0x115: {  	v2 =	vadd.f32 v10, v2;
	[tilespmem:v4+s25+$0x0] =	vst.idx.add.f32.msk vm8, v9;
	v8 =	vnsel vm4, $0x0, v12  }
0x116: {  	v4 =	vnsel vm5, $0x0, v11;
	v8 =	vadd.f32 v8, v13;
	[tilespmem:v6+s25+$0x0] =	vst.idx.add.f32.msk vm3, v7  }
0x117: {  	[tilespmem:v5+s24+$0x0] =	vst.idx.add.f32.msk vm9, v2;
	v4 =	vadd.f32 v4, v15  }
0x118: {  	[tilespmem:v5+s25+$0x0] =	vst.idx.add.f32.msk vm9, v8  }
0x119: {  	[tilespmem:v3+s25+$0x0] =	vst.idx.add.f32.msk vm2, v4  }
0x11a: {  	_ =	swait.ge [sflag:s20], $0x2000  }
0x11b: {  	[sflag:s20] =	ssyncset.done $0x0  }
0x11c: {  	[sflag:s20] =	ssyncadd.s32 $0xFFFFE000  }
0x11d: {  	_ =	swait.ge [sflag:s20], $0x2000  }
0x11e: {  	[sflag:s20] =	ssyncset.done $0x0  }
0x11f: {  	[sflag:s20] =	ssyncadd.s32 $0xFFFFE000  }
0x120: {  	_ =	swait.ge [sflag:s20], $0x2000  }
0x121: {  	[sflag:s20] =	ssyncset.done $0x0  }
0x122: {  	[sflag:s20] =	ssyncadd.s32 $0xFFFFE000  }
0x123: {  	[tilespmem:s21], [sflag:$0x2] =	stream.linear.gather [hbm4b:s12+s2], $0x2000, $0x38;
	[tilespmem:$0x14000] =	vst v63  }
0x124: {  	_ = 	snop  }
0x125: {  	[tilespmem:s22], [sflag:$0x2] =	stream.linear.gather [hbm4b:s13+s2], $0x2000, $0x38;
	[tilespmem:$0x14000] =	vst v63  }
0x126: {  	s3 =	simm.s32 $0x4040  }
0x127: {  	[tilespmem:s23], [sflag:$0x2] =	stream.linear.gather [hbm4b:s14+s2], $0x2000, $0x38;
	[tilespmem:$0x14000] =	vst v63  }
0x128: {  	s0 =	simm.s32 $0x40;
	v3 =	vld [tilespmem:s3+$0xFFFFFFC0]  }
0x129: {  	s1 =	simm.s32 $0x2040;
	v11 =	vld [tilespmem:s0+$0x10]  }
0x12a: {  	v5 =	vld [tilespmem:s1+$0xFFFFFFC0]  }
0x12b: {  	v6 =	vld [tilespmem:s1+$0xFFFFFFE0]  }
0x12c: {  	v7 =	vld [tilespmem:s1+$0xFFFFFFD0]  }
0x12d: {  	v2 =	vld [tilespmem:s1+$0x0]  }
0x12e: {  	v4 =	vld [tilespmem:s1+$0x10]  }
0x12f: {  	v8 =	vld [tilespmem:s3+$0x10]  }
0x130: {  	v9 =	vld [tilespmem:s0+$0x0]  }
0x131: {  	v10 =	vld [tilespmem:s3+$0x0]  }
0x132: {  	v13 =	vld [tilespmem:s1+$0xFFFFFFF0]  }
0x133: {  	v14 =	vld [tilespmem:s3+$0xFFFFFFE0]  }
0x134: {  	v17 =	vld [tilespmem:s3+$0xFFFFFFF0];
	v16 =	vmul.f32 $0.0e+00, v11;
	v4 =	vshll.u32 v4, $0xD  }
0x135: {  	v15 =	vld [tilespmem:s3+$0xFFFFFFD0];
	v18 =	vmul.f32 $0.0e+00, v9;
	v19 =	vperm.xlane v9, v0;
	v6 =	vshll.u32 v6, $0xD  }
0x136: {  	v5 =	vshll.u32 v5, $0xD;
	v23 =	vperm.xlane v11, v0;
	v12 =	vadd.s32 v8, v4  }
0x137: {  	v4 =	vshll.u32 v2, $0xD;
	v8 =	vshll.u32 v13, $0xD;
	v13 =	vshll.u32 v7, $0xD  }
0x138: {  	v2 =	vld [tilespmem:s0+$0xFFFFFFF0];
	v7 =	vadd.s32 v14, v6;
	v3 =	vadd.s32 v3, v5;
	v21 =	vperm.xlane v12, v0  }
0x139: {  	v4 =	vadd.s32 v10, v4;
	v14 =	vadd.f32 $1.000000000e+00, v18;
	v5 =	vadd.s32 v17, v8  }
0x13a: {  	v18 =	vld [tilespmem:s0+$0xFFFFFFC0];
	v6 =	vadd.s32 v15, v13;
	v10 =	vperm.xlane v4, v0;
	v13 =	vperm.xlane v5, v0  }
0x13b: {  	v8 =	vld [tilespmem:s0+$0xFFFFFFD0];
	v17 =	vperm.xlane v3, v0;
	v26 =	vadd.f32 $1.000000000e+00, v16;
	v16 =	vperm.xlane v6, v0  }
0x13c: {  	v20 =	vperm.xlane v14, v0;
	vm2 =	veq.s32 v4, v10;
	vm4 =	veq.s32 v5, v13  }
0x13d: {  	vm6 =	vmand vm0, vm2;
	v10 =	vperm.xlane v2, v0;
	vm2 =	veq.s32 v12, v21  }
0x13e: {  	v15 =	vnsel vm6, $0x0, v19;
	vm8 =	vmand vm6, vm1;
	v19 =	vperm.xlane v7, v0  }
0x13f: {  	v13 =	vld [tilespmem:s0+$0x30];
	vm9 =	vmand vm0, vm2;
	v21 =	vperm.xlane v18, v0;
	vm2 =	veq.s32 v3, v17  }
0x140: {  	v27 =	vld [tilespmem:s1+$0x30];
	v25 =	vperm.xlane v8, v0;
	v17 =	vmul.f32 $0.0e+00, v18;
	vm5 =	vmand vm2, vm0  }
0x141: {  	v22 =	vld [tilespmem:s0+$0xFFFFFFE0];
	vm2 =	veq.s32 v6, v16;
	v16 =	vmul.f32 $0.0e+00, v2;
	vm11 =	vmand vm9, vm1  }
0x142: {  	v28 =	vld [tilespmem:s3+$0x30];
	v23 =	vnsel vm9, $0x0, v23;
	vm3 =	vmand vm5, vm1;
	vm7 =	vmand vm0, vm2  }
0x143: {  	v30 =	vld [tilespmem:s3+$0x20];
	v24 =	vnsel vm5, $0x0, v21;
	vm10 =	veq.s32 v7, v19;
	vm2 =	vmneg vm3  }
0x144: {  	s18 =	simm.s32 $0xC0;
	v31 =	vld [tilespmem:s1+$0x20];
	v18 =	vadd.f32 v24, v18;
	vm3 =	vmand vm7, vm1;
	v24 =	vperm.xlane v13, v0  }
0x145: {  	s1 =	simm.s32 $0x40C0;
	s3 =	simm.s32 $0x20C0;
	v21 =	vld [tilespmem:s0+$0x20];
	s0 =	simm.s32 $0x0;
	v19 =	vnsel vm7, $0x0, v25;
	v29 =	vmul.f32 $0.0e+00, v13;
	vm3 =	vmneg vm3  }
.LBB2_8:
0x146: {  	v25 =	vld [tilespmem:s1+$0xFFFFFFC0];
	s0 =	sadd.s32 $0x8, s0;
	vm10 =	vmand vm0, vm10;
	v32 =	vadd.f32 v23, v11;
	vm11 =	vmneg vm11  }
0x147: {  	v33 =	vperm.xlane v22, v0;
	v11 =	vnsel vm6, $0x0, v20;
	v34 =	vperm.xlane v26, v0;
	v23 =	vld [tilespmem:s18+$0xFFFFFFF0];
	p0 =	slt.u32 s0, $0x1F8  }
0x148: {  	v36 =	vadd.f32 v19, v8;
	vm8 =	vmneg vm8;
	v20 =	vadd.f32 v11, v14;
	v35 =	vld [tilespmem:s18+$0xFFFFFFD0]  }
0x149: {  	v8 =	vmul.f32 $0.0e+00, v8;
	vm6 =	vmand vm10, vm1;
	v14 =	vnsel vm9, $0x0, v34;
	v19 =	vld [tilespmem:s18+$0xFFFFFFC0]  }
0x14a: {  	vm6 =	vmneg vm6;
	v14 =	vadd.f32 v14, v26;
	v26 =	vmul.f32 $0.0e+00, v21;
	v11 =	vld [tilespmem:s18+$0x10]  }
0x14b: {  	v38 =	vperm.xlane v21, v0;
	v37 =	vadd.f32 $1.000000000e+00, v8;
	v33 =	vnsel vm10, $0x0, v33;
	v34 =	vld [tilespmem:s3+$0xFFFFFFC0]  }
0x14c: {  	v15 =	vadd.f32 v15, v9;
	v29 =	vadd.f32 $1.000000000e+00, v29;
	[tilespmem:v12+s24+$0x0] =	vst.idx.add.f32.msk vm11, v32;
	v32 =	vshll.u32 v31, $0xD  }
0x14d: {  	v27 =	vshll.u32 v27, $0xD;
	v9 =	vperm.xlane v37, v0;
	v31 =	vld [tilespmem:s3+$0xFFFFFFE0];
	v30 =	vadd.s32 v30, v32;
	v8 =	vmovc v35  }
0x14e: {  	v27 =	vadd.s32 v28, v27;
	v28 =	vperm.xlane v29, v0;
	v32 =	vld [tilespmem:s3+$0xFFFFFFD0];
	v35 =	vperm.xlane v30, v0  }
0x14f: {  	v9 =	vnsel vm7, $0x0, v9;
	[tilespmem:v12+s25+$0x0] =	vst.idx.add.f32.msk vm11, v14;
	v12 =	vadd.f32 $1.000000000e+00, v26;
	v14 =	vperm.xlane v27, v0  }
0x150: {  	v37 =	vadd.f32 v9, v37;
	v9 =	vmul.f32 $0.0e+00, v22;
	v26 =	vld [tilespmem:s3+$0xFFFFFFF0];
	vm7 =	veq.s32 v30, v35  }
0x151: {  	v35 =	vld [tilespmem:s1+$0xFFFFFFD0];
	v39 =	vperm.xlane v12, v0;
	vm7 =	vmand vm0, vm7;
	vm9 =	veq.s32 v27, v14  }
0x152: {  	v14 =	vld [tilespmem:s3+$0x0];
	v38 =	vnsel vm7, $0x0, v38;
	vm11 =	vmand vm7, vm1;
	vm9 =	vmand vm0, vm9  }
0x153: {  	v41 =	vadd.f32 $1.000000000e+00, v9;
	v40 =	vld [tilespmem:s3+$0x10];
	v39 =	vnsel vm7, $0x0, v39;
	vm7 =	vmneg vm11  }
0x154: {  	v17 =	vadd.f32 $1.000000000e+00, v17;
	v24 =	vnsel vm9, $0x0, v24;
	vm11 =	vmand vm9, vm1;
	v42 =	vld [tilespmem:s1+$0x10]  }
0x155: {  	v43 =	vperm.xlane v41, v0;
	v28 =	vnsel vm9, $0x0, v28;
	vm9 =	vmneg vm11;
	v9 =	vld [tilespmem:s18+$0x0]  }
0x156: {  	v45 =	vperm.xlane v17, v0;
	v22 =	vadd.f32 v33, v22;
	v28 =	vadd.f32 v28, v29;
	v44 =	vld [tilespmem:s1+$0x0]  }
0x157: {  	v33 =	vnsel vm10, $0x0, v43;
	v21 =	vadd.f32 v38, v21;
	v38 =	vadd.f32 v39, v12;
	v29 =	vld [tilespmem:s1+$0xFFFFFFF0]  }
0x158: {  	v16 =	vadd.f32 $1.000000000e+00, v16;
	v12 =	vnsel vm5, $0x0, v45;
	v33 =	vadd.f32 v33, v41;
	v39 =	vld [tilespmem:s1+$0xFFFFFFE0]  }
0x159: {  	v41 =	vmul.f32 $0.0e+00, v11;
	v13 =	vadd.f32 v24, v13;
	v17 =	vadd.f32 v12, v17;
	[tilespmem:v7+s24+$0x0] =	vst.idx.add.f32.msk vm6, v22  }
0x15a: {  	v12 =	vshll.u32 v40, $0xD;
	v22 =	vmul.f32 $0.0e+00, v9;
	[tilespmem:v3+s24+$0x0] =	vst.idx.add.f32.msk vm2, v18;
	v18 =	vperm.xlane v16, v0  }
0x15b: {  	vm4 =	vmand vm0, vm4;
	v12 =	vadd.s32 v42, v12;
	v24 =	vperm.xlane v9, v0;
	[tilespmem:v30+s24+$0x0] =	vst.idx.add.f32.msk vm7, v21  }
0x15c: {  	v14 =	vshll.u32 v14, $0xD;
	v21 =	vperm.xlane v12, v0;
	[tilespmem:v7+s25+$0x0] =	vst.idx.add.f32.msk vm6, v33;
	v33 =	vnsel vm4, $0x0, v10  }
0x15d: {  	vm5 =	vmand vm4, vm1;
	v40 =	vadd.s32 v44, v14;
	v10 =	vshll.u32 v26, $0xD;
	[tilespmem:v27+s24+$0x0] =	vst.idx.add.f32.msk vm9, v13  }
0x15e: {  	vm5 =	vmneg vm5;
	v7 =	vshll.u32 v31, $0xD;
	v13 =	vperm.xlane v40, v0;
	[tilespmem:v30+s25+$0x0] =	vst.idx.add.f32.msk vm7, v38  }
0x15f: {  	v26 =	vshll.u32 v32, $0xD;
	v14 =	vadd.f32 $1.000000000e+00, v22;
	v7 =	vadd.s32 v39, v7;
	[tilespmem:v27+s25+$0x0] =	vst.idx.add.f32.msk vm9, v28  }
0x160: {  	v22 =	vshll.u32 v34, $0xD;
	vm6 =	veq.s32 v40, v13;
	v13 =	vnsel vm4, $0x0, v18;
	[tilespmem:v4+s24+$0x0] =	vst.idx.add.f32.msk vm8, v15  }
0x161: {  	v18 =	vadd.s32 v25, v22;
	vm6 =	vmand vm0, vm6;
	v16 =	vadd.f32 v13, v16;
	[tilespmem:v6+s24+$0x0] =	vst.idx.add.f32.msk vm3, v36  }
0x162: {  	v25 =	vadd.s32 v35, v26;
	v28 =	vadd.s32 v29, v10;
	v15 =	vnsel vm6, $0x0, v24;
	[tilespmem:v4+s25+$0x0] =	vst.idx.add.f32.msk vm8, v20  }
0x163: {  	v10 =	vperm.xlane v23, v0;
	v22 =	vadd.f32 v33, v2;
	v2 =	vmovc v23;
	v4 =	vperm.xlane v28, v0;
	v13 =	vld [tilespmem:s18+$0x30]  }
0x164: {  	vm7 =	veq.s32 v12, v21;
	v20 =	vperm.xlane v14, v0;
	vm8 =	vmand vm6, vm1;
	[tilespmem:v6+s25+$0x0] =	vst.idx.add.f32.msk vm3, v37  }
0x165: {  	v23 =	vperm.xlane v7, v0;
	v26 =	vadd.f32 $1.000000000e+00, v41;
	v6 =	vperm.xlane v18, v0;
	[tilespmem:v5+s24+$0x0] =	vst.idx.add.f32.msk vm5, v22  }
0x166: {  	vm9 =	vmand vm0, vm7;
	v21 =	vperm.xlane v25, v0;
	vm4 =	veq.s32 v28, v4;
	[tilespmem:v5+s25+$0x0] =	vst.idx.add.f32.msk vm5, v16  }
0x167: {  	v29 =	vperm.xlane v11, v0;
	v24 =	vperm.xlane v19, v0;
	vm3 =	veq.s32 v18, v6;
	v4 =	vmovc v40;
	v27 =	vld [tilespmem:s3+$0x30]  }
0x168: {  	v31 =	vperm.xlane v8, v0;
	vm5 =	vmand vm3, vm0;
	vm3 =	veq.s32 v25, v21;
	[tilespmem:v3+s25+$0x0] =	vst.idx.add.f32.msk vm2, v17  }
.Ltmp3:
0x169: {  	v17 =	vmul.f32 $0.0e+00, v19;
	vm2 =	vmand vm5, vm1;
	vm7 =	vmand vm0, vm3;
	v3 =	vmovc v18;
	v6 =	vmovc v25;
	v22 =	vld [tilespmem:s18+$0xFFFFFFE0];
	(pc) =	sbr.rel @p0 .LBB2_8-.Ltmp3, $4  }
0x16a: {  	v16 =	vmul.f32 $0.0e+00, v2;
	v5 =	vmovc v28;
	v18 =	vnsel vm5, $0x0, v24;
	vm2 =	vmneg vm2;
	v21 =	vld [tilespmem:s18+$0x20]  }
0x16b: {  	vm11 =	vmand vm9, vm1;
	v18 =	vadd.f32 v18, v19;
	vm3 =	vmand vm7, vm1;
	v28 =	vld [tilespmem:s1+$0x30]  }
0x16c: {  	vm10 =	veq.s32 v7, v23;
	v24 =	vperm.xlane v13, v0;
	vm3 =	vmneg vm3;
	v30 =	vld [tilespmem:s1+$0x20]  }
0x16d: {  	v23 =	vnsel vm9, $0x0, v29;
	v29 =	vmul.f32 $0.0e+00, v13;
	v19 =	vnsel vm7, $0x0, v31;
	s18 =	sadd.s32 $0x80, s18;
	s1 =	sadd.s32 $0x80, s1;
	v31 =	vld [tilespmem:s3+$0x20];
	s3 =	sadd.s32 $0x80, s3  }
0x16e: {  	_ =	sdelay $0x1  }
0x16f: {  	vm10 =	vmand vm0, vm10;
	v11 =	vadd.f32 v23, v11;
	vm12 =	vmneg vm11  }
0x170: {  	v23 =	vperm.xlane v22, v0;
	v25 =	vperm.xlane v26, v0;
	v27 =	vshll.u32 v27, $0xD  }
0x171: {  	vm8 =	vmneg vm8;
	vm4 =	vmand vm0, vm4;
	v31 =	vshll.u32 v31, $0xD  }
0x172: {  	vm11 =	vmand vm10, vm1;
	v29 =	vadd.f32 $1.000000000e+00, v29;
	v30 =	vadd.s32 v30, v31  }
0x173: {  	v25 =	vnsel vm9, $0x0, v25;
	v27 =	vadd.s32 v28, v27;
	v31 =	vperm.xlane v30, v0  }
0x174: {  	vm9 =	vmneg vm11;
	v28 =	vmul.f32 $0.0e+00, v21;
	v23 =	vnsel vm10, $0x0, v23  }
0x175: {  	v25 =	vadd.f32 v25, v26;
	v26 =	vperm.xlane v27, v0;
	vm11 =	veq.s32 v30, v31  }
0x176: {  	[tilespmem:v12+s24+$0x0] =	vst.idx.add.f32.msk vm12, v11;
	v11 =	vadd.f32 $1.000000000e+00, v28;
	v31 =	vmul.f32 $0.0e+00, v22;
	vm13 =	vmand vm0, vm11  }
0x177: {  	[tilespmem:v12+s25+$0x0] =	vst.idx.add.f32.msk vm12, v25;
	v25 =	vmul.f32 $0.0e+00, v8;
	vm11 =	veq.s32 v27, v26;
	vm14 =	vmand vm13, vm1  }
0x178: {  	v31 =	vadd.f32 $1.000000000e+00, v31;
	vm15 =	vmand vm0, vm11;
	vm11 =	vmneg vm14  }
0x179: {  	v22 =	vadd.f32 v23, v22;
	v26 =	vperm.xlane v21, v0;
	vm14 =	vmand vm15, vm1  }
0x17a: {  	v8 =	vadd.f32 v19, v8;
	v23 =	vperm.xlane v31, v0;
	vm14 =	vmneg vm14  }
0x17b: {  	[tilespmem:v7+s24+$0x0] =	vst.idx.add.f32.msk vm9, v22;
	v22 =	vperm.xlane v11, v0;
	v26 =	vnsel vm13, $0x0, v26;
	v24 =	vnsel vm15, $0x0, v24  }
0x17c: {  	[tilespmem:v3+s24+$0x0] =	vst.idx.add.f32.msk vm2, v18;
	v21 =	vadd.f32 v26, v21;
	v12 =	vnsel vm10, $0x0, v23;
	v23 =	vperm.xlane v29, v0  }
0x17d: {  	[tilespmem:v6+s24+$0x0] =	vst.idx.add.f32.msk vm3, v8;
	v18 =	vnsel vm13, $0x0, v22;
	v13 =	vadd.f32 v24, v13;
	v12 =	vadd.f32 v12, v31  }
0x17e: {  	v11 =	vadd.f32 v18, v11;
	v22 =	vnsel vm15, $0x0, v23;
	[tilespmem:v30+s24+$0x0] =	vst.idx.add.f32.msk vm11, v21;
	v21 =	vadd.f32 $1.000000000e+00, v25  }
0x17f: {  	[tilespmem:v7+s25+$0x0] =	vst.idx.add.f32.msk vm9, v12;
	v7 =	vadd.f32 v15, v9;
	v9 =	vadd.f32 v22, v29;
	vm9 =	vmand vm4, vm1  }
0x180: {  	[tilespmem:v27+s24+$0x0] =	vst.idx.add.f32.msk vm14, v13;
	v13 =	vadd.f32 $1.000000000e+00, v16;
	vm9 =	vmneg vm9;
	v12 =	vperm.xlane v21, v0  }
0x181: {  	v15 =	vadd.f32 $1.000000000e+00, v17;
	[tilespmem:v30+s25+$0x0] =	vst.idx.add.f32.msk vm11, v11;
	v11 =	vnsel vm6, $0x0, v20  }
0x182: {  	[tilespmem:v27+s25+$0x0] =	vst.idx.add.f32.msk vm14, v9;
	v9 =	vadd.f32 v11, v14;
	v11 =	vnsel vm7, $0x0, v12;
	v12 =	vperm.xlane v13, v0  }
0x183: {  	v10 =	vnsel vm4, $0x0, v10;
	[tilespmem:v4+s24+$0x0] =	vst.idx.add.f32.msk vm8, v7;
	v7 =	vadd.f32 v11, v21;
	v11 =	vperm.xlane v15, v0  }
0x184: {  	v2 =	vadd.f32 v10, v2;
	[tilespmem:v4+s25+$0x0] =	vst.idx.add.f32.msk vm8, v9;
	v8 =	vnsel vm4, $0x0, v12  }
0x185: {  	v4 =	vnsel vm5, $0x0, v11;
	v8 =	vadd.f32 v8, v13;
	[tilespmem:v6+s25+$0x0] =	vst.idx.add.f32.msk vm3, v7  }
0x186: {  	[tilespmem:v5+s24+$0x0] =	vst.idx.add.f32.msk vm9, v2;
	v4 =	vadd.f32 v4, v15  }
0x187: {  	[tilespmem:v5+s25+$0x0] =	vst.idx.add.f32.msk vm9, v8  }
0x188: {  	[tilespmem:v3+s25+$0x0] =	vst.idx.add.f32.msk vm2, v4  }
0x189: {  	_ =	swait.ge [sflag:s26], $0x2000  }
0x18a: {  	[sflag:s26] =	ssyncset.done $0x0  }
0x18b: {  	[sflag:s26] =	ssyncadd.s32 $0xFFFFE000  }
0x18c: {  	_ =	swait.ge [sflag:s26], $0x2000  }
0x18d: {  	[sflag:s26] =	ssyncset.done $0x0  }
0x18e: {  	[sflag:s26] =	ssyncadd.s32 $0xFFFFE000  }
0x18f: {  	_ =	swait.ge [sflag:s26], $0x2000  }
0x190: {  	[sflag:s26] =	ssyncset.done $0x0  }
0x191: {  	s3 =	simm.s32 $0xA040;
	[sflag:s26] =	ssyncadd.s32 $0xFFFFE000  }
0x192: {  	s0 =	simm.s32 $0x6040;
	v3 =	vld [tilespmem:s3+$0xFFFFFFC0]  }
0x193: {  	s1 =	simm.s32 $0x8040;
	v11 =	vld [tilespmem:s0+$0x10]  }
0x194: {  	v5 =	vld [tilespmem:s1+$0xFFFFFFC0]  }
0x195: {  	v6 =	vld [tilespmem:s1+$0xFFFFFFE0]  }
0x196: {  	v7 =	vld [tilespmem:s1+$0xFFFFFFD0]  }
0x197: {  	v2 =	vld [tilespmem:s1+$0x0]  }
0x198: {  	v4 =	vld [tilespmem:s1+$0x10]  }
0x199: {  	v8 =	vld [tilespmem:s3+$0x10]  }
0x19a: {  	v9 =	vld [tilespmem:s0+$0x0]  }
0x19b: {  	v10 =	vld [tilespmem:s3+$0x0]  }
0x19c: {  	v13 =	vld [tilespmem:s1+$0xFFFFFFF0]  }
0x19d: {  	v14 =	vld [tilespmem:s3+$0xFFFFFFE0]  }
0x19e: {  	v17 =	vld [tilespmem:s3+$0xFFFFFFF0];
	v16 =	vmul.f32 $0.0e+00, v11;
	v4 =	vshll.u32 v4, $0xD  }
0x19f: {  	v15 =	vld [tilespmem:s3+$0xFFFFFFD0];
	v18 =	vmul.f32 $0.0e+00, v9;
	v19 =	vperm.xlane v9, v0;
	v6 =	vshll.u32 v6, $0xD  }
0x1a0: {  	v5 =	vshll.u32 v5, $0xD;
	v23 =	vperm.xlane v11, v0;
	v12 =	vadd.s32 v8, v4  }
0x1a1: {  	v4 =	vshll.u32 v2, $0xD;
	v8 =	vshll.u32 v13, $0xD;
	v13 =	vshll.u32 v7, $0xD  }
0x1a2: {  	v2 =	vld [tilespmem:s0+$0xFFFFFFF0];
	v7 =	vadd.s32 v14, v6;
	v3 =	vadd.s32 v3, v5;
	v21 =	vperm.xlane v12, v0  }
0x1a3: {  	v4 =	vadd.s32 v10, v4;
	v14 =	vadd.f32 $1.000000000e+00, v18;
	v5 =	vadd.s32 v17, v8  }
0x1a4: {  	v18 =	vld [tilespmem:s0+$0xFFFFFFC0];
	v6 =	vadd.s32 v15, v13;
	v10 =	vperm.xlane v4, v0;
	v13 =	vperm.xlane v5, v0  }
0x1a5: {  	v8 =	vld [tilespmem:s0+$0xFFFFFFD0];
	v17 =	vperm.xlane v3, v0;
	v26 =	vadd.f32 $1.000000000e+00, v16;
	v16 =	vperm.xlane v6, v0  }
0x1a6: {  	v20 =	vperm.xlane v14, v0;
	vm2 =	veq.s32 v4, v10;
	vm4 =	veq.s32 v5, v13  }
0x1a7: {  	vm6 =	vmand vm0, vm2;
	v10 =	vperm.xlane v2, v0;
	vm2 =	veq.s32 v12, v21  }
0x1a8: {  	v15 =	vnsel vm6, $0x0, v19;
	vm8 =	vmand vm6, vm1;
	v19 =	vperm.xlane v7, v0  }
0x1a9: {  	v13 =	vld [tilespmem:s0+$0x30];
	vm9 =	vmand vm0, vm2;
	v21 =	vperm.xlane v18, v0;
	vm2 =	veq.s32 v3, v17  }
0x1aa: {  	v27 =	vld [tilespmem:s1+$0x30];
	v25 =	vperm.xlane v8, v0;
	v17 =	vmul.f32 $0.0e+00, v18;
	vm5 =	vmand vm2, vm0  }
0x1ab: {  	v22 =	vld [tilespmem:s0+$0xFFFFFFE0];
	vm2 =	veq.s32 v6, v16;
	v16 =	vmul.f32 $0.0e+00, v2;
	vm11 =	vmand vm9, vm1  }
0x1ac: {  	v28 =	vld [tilespmem:s3+$0x30];
	v23 =	vnsel vm9, $0x0, v23;
	vm3 =	vmand vm5, vm1;
	vm7 =	vmand vm0, vm2  }
0x1ad: {  	v30 =	vld [tilespmem:s3+$0x20];
	v24 =	vnsel vm5, $0x0, v21;
	vm10 =	veq.s32 v7, v19;
	vm2 =	vmneg vm3  }
0x1ae: {  	s18 =	simm.s32 $0x60C0;
	v31 =	vld [tilespmem:s1+$0x20];
	v18 =	vadd.f32 v24, v18;
	vm3 =	vmand vm7, vm1;
	v24 =	vperm.xlane v13, v0  }
0x1af: {  	s1 =	simm.s32 $0xA0C0;
	s3 =	simm.s32 $0x80C0;
	v21 =	vld [tilespmem:s0+$0x20];
	s0 =	simm.s32 $0x0;
	v19 =	vnsel vm7, $0x0, v25;
	v29 =	vmul.f32 $0.0e+00, v13;
	vm3 =	vmneg vm3  }
.LBB2_10:
0x1b0: {  	v25 =	vld [tilespmem:s1+$0xFFFFFFC0];
	s0 =	sadd.s32 $0x8, s0;
	vm10 =	vmand vm0, vm10;
	v32 =	vadd.f32 v23, v11;
	vm11 =	vmneg vm11  }
0x1b1: {  	v33 =	vperm.xlane v22, v0;
	v11 =	vnsel vm6, $0x0, v20;
	v34 =	vperm.xlane v26, v0;
	v23 =	vld [tilespmem:s18+$0xFFFFFFF0];
	p0 =	slt.u32 s0, $0x1F8  }
0x1b2: {  	v36 =	vadd.f32 v19, v8;
	vm8 =	vmneg vm8;
	v20 =	vadd.f32 v11, v14;
	v35 =	vld [tilespmem:s18+$0xFFFFFFD0]  }
0x1b3: {  	v8 =	vmul.f32 $0.0e+00, v8;
	vm6 =	vmand vm10, vm1;
	v14 =	vnsel vm9, $0x0, v34;
	v19 =	vld [tilespmem:s18+$0xFFFFFFC0]  }
0x1b4: {  	vm6 =	vmneg vm6;
	v14 =	vadd.f32 v14, v26;
	v26 =	vmul.f32 $0.0e+00, v21;
	v11 =	vld [tilespmem:s18+$0x10]  }
0x1b5: {  	v38 =	vperm.xlane v21, v0;
	v37 =	vadd.f32 $1.000000000e+00, v8;
	v33 =	vnsel vm10, $0x0, v33;
	v34 =	vld [tilespmem:s3+$0xFFFFFFC0]  }
0x1b6: {  	v15 =	vadd.f32 v15, v9;
	v29 =	vadd.f32 $1.000000000e+00, v29;
	[tilespmem:v12+s24+$0x0] =	vst.idx.add.f32.msk vm11, v32;
	v32 =	vshll.u32 v31, $0xD  }
0x1b7: {  	v27 =	vshll.u32 v27, $0xD;
	v9 =	vperm.xlane v37, v0;
	v31 =	vld [tilespmem:s3+$0xFFFFFFE0];
	v30 =	vadd.s32 v30, v32;
	v8 =	vmovc v35  }
0x1b8: {  	v27 =	vadd.s32 v28, v27;
	v28 =	vperm.xlane v29, v0;
	v32 =	vld [tilespmem:s3+$0xFFFFFFD0];
	v35 =	vperm.xlane v30, v0  }
0x1b9: {  	v9 =	vnsel vm7, $0x0, v9;
	[tilespmem:v12+s25+$0x0] =	vst.idx.add.f32.msk vm11, v14;
	v12 =	vadd.f32 $1.000000000e+00, v26;
	v14 =	vperm.xlane v27, v0  }
0x1ba: {  	v37 =	vadd.f32 v9, v37;
	v9 =	vmul.f32 $0.0e+00, v22;
	v26 =	vld [tilespmem:s3+$0xFFFFFFF0];
	vm7 =	veq.s32 v30, v35  }
0x1bb: {  	v35 =	vld [tilespmem:s1+$0xFFFFFFD0];
	v39 =	vperm.xlane v12, v0;
	vm7 =	vmand vm0, vm7;
	vm9 =	veq.s32 v27, v14  }
0x1bc: {  	v14 =	vld [tilespmem:s3+$0x0];
	v38 =	vnsel vm7, $0x0, v38;
	vm11 =	vmand vm7, vm1;
	vm9 =	vmand vm0, vm9  }
0x1bd: {  	v41 =	vadd.f32 $1.000000000e+00, v9;
	v40 =	vld [tilespmem:s3+$0x10];
	v39 =	vnsel vm7, $0x0, v39;
	vm7 =	vmneg vm11  }
0x1be: {  	v17 =	vadd.f32 $1.000000000e+00, v17;
	v24 =	vnsel vm9, $0x0, v24;
	vm11 =	vmand vm9, vm1;
	v42 =	vld [tilespmem:s1+$0x10]  }
0x1bf: {  	v43 =	vperm.xlane v41, v0;
	v28 =	vnsel vm9, $0x0, v28;
	vm9 =	vmneg vm11;
	v9 =	vld [tilespmem:s18+$0x0]  }
0x1c0: {  	v45 =	vperm.xlane v17, v0;
	v22 =	vadd.f32 v33, v22;
	v28 =	vadd.f32 v28, v29;
	v44 =	vld [tilespmem:s1+$0x0]  }
0x1c1: {  	v33 =	vnsel vm10, $0x0, v43;
	v21 =	vadd.f32 v38, v21;
	v38 =	vadd.f32 v39, v12;
	v29 =	vld [tilespmem:s1+$0xFFFFFFF0]  }
0x1c2: {  	v16 =	vadd.f32 $1.000000000e+00, v16;
	v12 =	vnsel vm5, $0x0, v45;
	v33 =	vadd.f32 v33, v41;
	v39 =	vld [tilespmem:s1+$0xFFFFFFE0]  }
0x1c3: {  	v41 =	vmul.f32 $0.0e+00, v11;
	v13 =	vadd.f32 v24, v13;
	v17 =	vadd.f32 v12, v17;
	[tilespmem:v7+s24+$0x0] =	vst.idx.add.f32.msk vm6, v22  }
0x1c4: {  	v12 =	vshll.u32 v40, $0xD;
	v22 =	vmul.f32 $0.0e+00, v9;
	[tilespmem:v3+s24+$0x0] =	vst.idx.add.f32.msk vm2, v18;
	v18 =	vperm.xlane v16, v0  }
0x1c5: {  	vm4 =	vmand vm0, vm4;
	v12 =	vadd.s32 v42, v12;
	v24 =	vperm.xlane v9, v0;
	[tilespmem:v30+s24+$0x0] =	vst.idx.add.f32.msk vm7, v21  }
0x1c6: {  	v14 =	vshll.u32 v14, $0xD;
	v21 =	vperm.xlane v12, v0;
	[tilespmem:v7+s25+$0x0] =	vst.idx.add.f32.msk vm6, v33;
	v33 =	vnsel vm4, $0x0, v10  }
0x1c7: {  	vm5 =	vmand vm4, vm1;
	v40 =	vadd.s32 v44, v14;
	v10 =	vshll.u32 v26, $0xD;
	[tilespmem:v27+s24+$0x0] =	vst.idx.add.f32.msk vm9, v13  }
0x1c8: {  	vm5 =	vmneg vm5;
	v7 =	vshll.u32 v31, $0xD;
	v13 =	vperm.xlane v40, v0;
	[tilespmem:v30+s25+$0x0] =	vst.idx.add.f32.msk vm7, v38  }
0x1c9: {  	v26 =	vshll.u32 v32, $0xD;
	v14 =	vadd.f32 $1.000000000e+00, v22;
	v7 =	vadd.s32 v39, v7;
	[tilespmem:v27+s25+$0x0] =	vst.idx.add.f32.msk vm9, v28  }
0x1ca: {  	v22 =	vshll.u32 v34, $0xD;
	vm6 =	veq.s32 v40, v13;
	v13 =	vnsel vm4, $0x0, v18;
	[tilespmem:v4+s24+$0x0] =	vst.idx.add.f32.msk vm8, v15  }
0x1cb: {  	v18 =	vadd.s32 v25, v22;
	vm6 =	vmand vm0, vm6;
	v16 =	vadd.f32 v13, v16;
	[tilespmem:v6+s24+$0x0] =	vst.idx.add.f32.msk vm3, v36  }
0x1cc: {  	v25 =	vadd.s32 v35, v26;
	v28 =	vadd.s32 v29, v10;
	v15 =	vnsel vm6, $0x0, v24;
	[tilespmem:v4+s25+$0x0] =	vst.idx.add.f32.msk vm8, v20  }
0x1cd: {  	v10 =	vperm.xlane v23, v0;
	v22 =	vadd.f32 v33, v2;
	v2 =	vmovc v23;
	v4 =	vperm.xlane v28, v0;
	v13 =	vld [tilespmem:s18+$0x30]  }
0x1ce: {  	vm7 =	veq.s32 v12, v21;
	v20 =	vperm.xlane v14, v0;
	vm8 =	vmand vm6, vm1;
	[tilespmem:v6+s25+$0x0] =	vst.idx.add.f32.msk vm3, v37  }
0x1cf: {  	v23 =	vperm.xlane v7, v0;
	v26 =	vadd.f32 $1.000000000e+00, v41;
	v6 =	vperm.xlane v18, v0;
	[tilespmem:v5+s24+$0x0] =	vst.idx.add.f32.msk vm5, v22  }
0x1d0: {  	vm9 =	vmand vm0, vm7;
	v21 =	vperm.xlane v25, v0;
	vm4 =	veq.s32 v28, v4;
	[tilespmem:v5+s25+$0x0] =	vst.idx.add.f32.msk vm5, v16  }
0x1d1: {  	v29 =	vperm.xlane v11, v0;
	v24 =	vperm.xlane v19, v0;
	vm3 =	veq.s32 v18, v6;
	v4 =	vmovc v40;
	v27 =	vld [tilespmem:s3+$0x30]  }
0x1d2: {  	v31 =	vperm.xlane v8, v0;
	vm5 =	vmand vm3, vm0;
	vm3 =	veq.s32 v25, v21;
	[tilespmem:v3+s25+$0x0] =	vst.idx.add.f32.msk vm2, v17  }
.Ltmp4:
0x1d3: {  	v17 =	vmul.f32 $0.0e+00, v19;
	vm2 =	vmand vm5, vm1;
	vm7 =	vmand vm0, vm3;
	v3 =	vmovc v18;
	v6 =	vmovc v25;
	v22 =	vld [tilespmem:s18+$0xFFFFFFE0];
	(pc) =	sbr.rel @p0 .LBB2_10-.Ltmp4, $4  }
0x1d4: {  	v16 =	vmul.f32 $0.0e+00, v2;
	v5 =	vmovc v28;
	v18 =	vnsel vm5, $0x0, v24;
	vm2 =	vmneg vm2;
	v21 =	vld [tilespmem:s18+$0x20]  }
0x1d5: {  	vm11 =	vmand vm9, vm1;
	v18 =	vadd.f32 v18, v19;
	vm3 =	vmand vm7, vm1;
	v28 =	vld [tilespmem:s1+$0x30]  }
0x1d6: {  	vm10 =	veq.s32 v7, v23;
	v24 =	vperm.xlane v13, v0;
	vm3 =	vmneg vm3;
	v30 =	vld [tilespmem:s1+$0x20]  }
0x1d7: {  	v23 =	vnsel vm9, $0x0, v29;
	v29 =	vmul.f32 $0.0e+00, v13;
	v19 =	vnsel vm7, $0x0, v31;
	s18 =	sadd.s32 $0x80, s18;
	s1 =	sadd.s32 $0x80, s1;
	v31 =	vld [tilespmem:s3+$0x20];
	s3 =	sadd.s32 $0x80, s3  }
0x1d8: {  	vm10 =	vmand vm0, vm10  }
0x1d9: {  	v11 =	vadd.f32 v23, v11;
	vm12 =	vmneg vm11;
	v34 =	vperm.xlane v22, v0  }
0x1da: {  	v25 =	vperm.xlane v26, v0;
	v27 =	vshll.u32 v27, $0xD;
	v37 =	vmul.f32 $0.0e+00, v22  }
0x1db: {  	vm8 =	vmneg vm8;
	v46 =	vmul.f32 $0.0e+00, v8;
	vm4 =	vmand vm0, vm4  }
0x1dc: {  	v50 =	vadd.f32 v15, v9;
	v54 =	vnsel vm6, $0x0, v20;
	v55 =	vadd.f32 v19, v8  }
0x1dd: {  	v56 =	vadd.f32 $1.000000000e+00, v17;
	vm13 =	vmand vm10, vm1;
	v36 =	vmul.f32 $0.0e+00, v21  }
0x1de: {  	v38 =	vperm.xlane v21, v0;
	v29 =	vadd.f32 $1.000000000e+00, v29;
	v57 =	vadd.f32 v54, v14  }
0x1df: {  	v25 =	vnsel vm9, $0x0, v25;
	v27 =	vadd.s32 v28, v27;
	vm9 =	vmneg vm13  }
0x1e0: {  	v23 =	vnsel vm10, $0x0, v34;
	v49 =	vadd.f32 $1.000000000e+00, v46;
	v31 =	vshll.u32 v31, $0xD  }
0x1e1: {  	v61 =	vperm.xlane v56, v0;
	v25 =	vadd.f32 v25, v26;
	v30 =	vadd.s32 v30, v31  }
0x1e2: {  	v35 =	vperm.xlane v27, v0;
	v39 =	vadd.f32 v23, v22;
	v31 =	vperm.xlane v30, v0  }
0x1e3: {  	[tilespmem:v3+s24+$0x0] =	vst.idx.add.f32.msk vm2, v18;
	v41 =	vadd.f32 $1.000000000e+00, v36;
	v44 =	vperm.xlane v29, v0;
	v52 =	vperm.xlane v49, v0  }
0x1e4: {  	[tilespmem:v6+s24+$0x0] =	vst.idx.add.f32.msk vm3, v55;
	v63 =	vnsel vm5, $0x0, v61;
	vm14 =	veq.s32 v30, v31;
	v31 =	vadd.f32 $1.000000000e+00, v37  }
0x1e5: {  	vm11 =	veq.s32 v27, v35;
	v45 =	vperm.xlane v41, v0;
	[tilespmem:v12+s24+$0x0] =	vst.idx.add.f32.msk vm12, v11;
	vm13 =	vmand vm0, vm14  }
0x1e6: {  	vm15 =	vmand vm0, vm11;
	[tilespmem:v4+s24+$0x0] =	vst.idx.add.f32.msk vm8, v50;
	vm14 =	vmand vm13, vm1;
	v40 =	vperm.xlane v31, v0  }
0x1e7: {  	v58 =	vnsel vm7, $0x0, v52;
	[tilespmem:v12+s25+$0x0] =	vst.idx.add.f32.msk vm12, v25;
	vm11 =	vmneg vm14;
	vm14 =	vmand vm15, vm1  }
0x1e8: {  	v60 =	vadd.f32 v58, v49;
	[tilespmem:v4+s25+$0x0] =	vst.idx.add.f32.msk vm8, v57;
	vm14 =	vmneg vm14;
	v42 =	vnsel vm10, $0x0, v40  }
0x1e9: {  	v24 =	vnsel vm15, $0x0, v24;
	v48 =	vnsel vm15, $0x0, v44;
	[tilespmem:v7+s24+$0x0] =	vst.idx.add.f32.msk vm9, v39;
	v12 =	vadd.f32 v42, v31  }
0x1ea: {  	v4 =	vadd.f32 v63, v56;
	[tilespmem:v6+s25+$0x0] =	vst.idx.add.f32.msk vm3, v60;
	v26 =	vnsel vm13, $0x0, v38;
	vm15 =	vmand vm4, vm1  }
0x1eb: {  	v53 =	vadd.f32 $1.000000000e+00, v16;
	v43 =	vadd.f32 v26, v21;
	[tilespmem:v7+s25+$0x0] =	vst.idx.add.f32.msk vm9, v12;
	vm9 =	vmneg vm15  }
0x1ec: {  	v13 =	vadd.f32 v24, v13;
	[tilespmem:v3+s25+$0x0] =	vst.idx.add.f32.msk vm2, v4;
	v47 =	vnsel vm13, $0x0, v45  }
0x1ed: {  	v59 =	vperm.xlane v53, v0;
	v11 =	vadd.f32 v47, v41;
	[tilespmem:v30+s24+$0x0] =	vst.idx.add.f32.msk vm11, v43  }
0x1ee: {  	v10 =	vnsel vm4, $0x0, v10;
	v51 =	vadd.f32 v48, v29;
	[tilespmem:v27+s24+$0x0] =	vst.idx.add.f32.msk vm14, v13  }
0x1ef: {  	v2 =	vadd.f32 v10, v2;
	v62 =	vnsel vm4, $0x0, v59;
	[tilespmem:v30+s25+$0x0] =	vst.idx.add.f32.msk vm11, v11  }
0x1f0: {  	v8 =	vadd.f32 v62, v53;
	[tilespmem:v27+s25+$0x0] =	vst.idx.add.f32.msk vm14, v51  }
0x1f1: {  	[tilespmem:v5+s24+$0x0] =	vst.idx.add.f32.msk vm9, v2  }
0x1f2: {  	[tilespmem:v5+s25+$0x0] =	vst.idx.add.f32.msk vm9, v8  }
0x1f3: {  	[hbm4b:s15+s28] =	stream.strided.scatter [tilespmem:s24], [sflag:$0x3], $0x4000, s29, s28, $0x38;
	[tilespmem:$0x14000] =	vst v63  }
0x1f4: {  	s31 =	sadd.s32 $0x1, s31  }
0x1f5: {  	[hbm4b:s16+s28] =	stream.strided.scatter [tilespmem:s25], [sflag:$0x3], $0x4000, s29, s28, $0x38;
	[tilespmem:$0x14000] =	vst v63  }
0x1f6: {  	p0 =	sne.s32 s31, s17;
	_ =	swait.ge [sflag:s30], $0x4000  }
.Ltmp5:
0x1f7: {  	[sflag:s30] =	ssyncset.done $0x0;
	(pc) =	sbr.rel @p0 .LBB2_1-.Ltmp5, $4  }
0x1f8: {  	[sflag:s30] =	ssyncadd.s32 $0xFFFFC000  }
0x1f9: {  	_ =	swait.ge [sflag:s30], $0x4000  }
0x1fa: {  	[sflag:s30] =	ssyncset.done $0x0  }
0x1fb: {  	[sflag:s30] =	ssyncadd.s32 $0xFFFFC000  }
0x1fc: {  	_ =	sfence.sel $0x180000  }
0x1fd: {  	[bflag:$0x0] =	sbarrier.arrive $0xFFFF  }
0x1fe: {  	_ =	strace $0x90000047  }
0x1ff: {  	s0 =	stileid.u32;
	[bflag:$0x2] =	sbarrier.arrive $0xFFFF  }
0x200: {  	p0 =	sne.s32 s0, $0x0;
	s0 =	rddreg [dreg:$0x4]  }
0x201: {  	s0 =	sadd.s32 @!p0 $0x100000, s0  }
0x202: {  	[sflag:s0] =	ssyncadd.tile.s32 @!p0 $0x1;
	_ =	shalt  }
.Lfunc_end2:
_tile_overlayer_lowered:
.L_overlay_start_2:
0x203: {  	(tag) =	ssettag $0x2  }
0x204: {  	s0 =	rddreg [dreg:$0x0];
	s2 =	stileid.u32  }
0x205: {  	s1 =	rddreg [dreg:$0x1];
	p0 =	sne.s32 s2, $0x0  }
0x206: {  	s3 =	rddreg [dreg:$0x2];
	[bflag:$0x3] =	sbarrier.arrive $0xFFFF;
	s2 =	simm.s32 @!p0 $0x1C04  }
0x207: {  	[timem:s3], [sflag:s2] =	dma.local @!p0 [hbm:s0], s1  }
0x208: {  	s0 =	simm.s32 @!p0 $0x4  }
0x209: {  	_ =	swait.ge @!p0 [sflag:s0], s1  }
0x20a: {  	s1 =	ssub.s32 @!p0 $0x0, s1;
	[sflag:s0] =	ssyncset.done @!p0 $0x0  }
0x20b: {  	[sflag:s0] =	ssyncadd.s32 @!p0 s1  }
0x20c: {  	[bflag:$0x3] =	sbarrier.arrive $0xFFFF  }
0x20d: {  	_ =	shalt  }

</sc_bundles>
